<compile_context>
chip_gen: v7x
topology: tpu7x:2x2x1
jax: 0.10.2.dev20260603
libtpu: 0.0.44.dev20260713+nightly
codegen_flags: <defaults>
</compile_context>

<pallas_src>
import functools

import jax
import jax.numpy as jnp
from jax import lax
from jax.experimental import pallas as pl
from jax.experimental.pallas import tpu as pltpu
from jax.experimental.pallas import tpu_sc as plsc

N_ROWS = 100001
D = 128
B_ROWS = 1024
SEQ = 200
NUM_WORKERS = 32
ROWS_PER_W = B_ROWS // NUM_WORKERS
N_CHUNKS = ROWS_PER_W
NBUF = 4
SLACK = 2

_mesh = plsc.VectorSubcoreMesh(core_axis_name="c", subcore_axis_name="s")


@functools.partial(
    pl.kernel,
    mesh=_mesh,
    out_type=jax.ShapeDtypeStruct((B_ROWS, SEQ, D), jnp.float32),
    scratch_types=(
        [pltpu.VMEM((SEQ,), jnp.int32) for _ in range(NBUF)]
        + [pltpu.VMEM((SEQ, D), jnp.float32) for _ in range(NBUF)]
        + [pltpu.SemaphoreType.DMA for _ in range(3 * NBUF)]
    ),
)
def _gather_kernel(idx_hbm, table_hbm, out_hbm, *bufs):
    idxb = bufs[:NBUF]
    rows = bufs[NBUF:2 * NBUF]
    isem = bufs[2 * NBUF:3 * NBUF]
    gsem = bufs[3 * NBUF:4 * NBUF]
    ssem = bufs[4 * NBUF:]
    wid = lax.axis_index("s") * 2 + lax.axis_index("c")
    base = wid * ROWS_PER_W

    def stage_start(g, b):
        pltpu.async_copy(idx_hbm.at[base + g], idxb[b], isem[b])

    def stage_wait(g, b):
        pltpu.make_async_copy(idx_hbm.at[base + g], idxb[b], isem[b]).wait()

    def gather_start(g, b):
        pltpu.async_copy(table_hbm.at[idxb[b]], rows[b], gsem[b])

    def gather_wait(g, b):
        pltpu.make_async_copy(table_hbm.at[idxb[b]], rows[b], gsem[b]).wait()

    def store_start(g, b):
        pltpu.async_copy(rows[b], out_hbm.at[base + g], ssem[b])

    def store_wait(g, b):
        pltpu.make_async_copy(rows[b], out_hbm.at[base + g], ssem[b]).wait()

    for c in range(NBUF):
        stage_start(c, c)
    for c in range(NBUF):
        stage_wait(c, c)
        gather_start(c, c)

    def outer(go, carry):
        for j in range(NBUF):
            g = NBUF * go + j
            b = j
            b2 = (j - SLACK) % NBUF
            gather_wait(g, b)
            store_start(g, b)

            @pl.when(g + NBUF < N_CHUNKS)
            def _():
                stage_start(g + NBUF, b)

            @pl.when(g >= SLACK)
            def _():
                store_wait(g - SLACK, b2)

            @pl.when((g >= SLACK) & (g - SLACK + NBUF < N_CHUNKS))
            def _():
                stage_wait(g - SLACK + NBUF, b2)
                gather_start(g - SLACK + NBUF, b2)

        return carry

    lax.fori_loop(0, N_CHUNKS // NBUF, outer, 0)

    for g in range(N_CHUNKS - SLACK, N_CHUNKS):
        store_wait(g, g % NBUF)


def kernel(batch, emb_table):
    return _gather_kernel(batch, emb_table)

# --- scband reference (transcript-rebuilt; emitter-appended) ---
"""Pipeline reference for scband-predictor-17549236371486 (READ-ONLY COPY).

The authoritative reference and input builder live on the scoring server;
editing this copy changes nothing except your own understanding.
"""

import jax, jax.numpy as jnp
import numpy as np

N_TOKENS = 100000
EMB_DIM = 128
PADDING_TOKEN = N_TOKENS

def setup_inputs(seed: int = 0) -> dict:
    key = jax.random.key(seed)
    k1, k2 = jax.random.split(key)
    batch = jax.random.randint(k1, (1024, 200), 0, 100000, dtype=jnp.int64 if jax.config.read('jax_enable_x64') else jnp.int32).astype(jnp.int32)
    emb_table = jax.random.normal(k2, (N_TOKENS + 1, EMB_DIM), dtype=jnp.float32)
    # padding_idx row is zero-initialized in nn.Embedding with padding_idx
    emb_table = emb_table.at[PADDING_TOKEN].set(0.0)
    return {"batch": batch, "emb_table": emb_table}

def reference(batch, emb_table):
    # nn.Embedding lookup: gather rows of the table by token index
    out = jnp.take(emb_table, batch, axis=0)
    return out

if __name__ == "__main__":
    import jax
    _d = setup_inputs()
    print(jax.jit(kernel)(*tuple(_d.values())))

</pallas_src>

<mosaic_0001>
#map = affine_map<(d0, d1) -> (0, 0)>
#map1 = affine_map<(d0, d1) -> (0, 0, 0)>
module attributes {stable_mosaic.version = 14 : i64} {
  func.func @_gather_kernel(%arg0: i32, %arg1: i32, %arg2: memref<1024x200xi32, #tpu.memory_space<hbm>>, %arg3: memref<100001x128xf32, #tpu.memory_space<hbm>>, %arg4: memref<1024x200x128xf32, #tpu.memory_space<hbm>>, %arg5: memref<200xi32, #tpu.memory_space<vmem>>, %arg6: memref<200xi32, #tpu.memory_space<vmem>>, %arg7: memref<200xi32, #tpu.memory_space<vmem>>, %arg8: memref<200xi32, #tpu.memory_space<vmem>>, %arg9: memref<200x128xf32, #tpu.memory_space<vmem>>, %arg10: memref<200x128xf32, #tpu.memory_space<vmem>>, %arg11: memref<200x128xf32, #tpu.memory_space<vmem>>, %arg12: memref<200x128xf32, #tpu.memory_space<vmem>>, %arg13: memref<!tpu.dma_semaphore, #tpu.memory_space<semaphore_mem>>, %arg14: memref<!tpu.dma_semaphore, #tpu.memory_space<semaphore_mem>>, %arg15: memref<!tpu.dma_semaphore, #tpu.memory_space<semaphore_mem>>, %arg16: memref<!tpu.dma_semaphore, #tpu.memory_space<semaphore_mem>>, %arg17: memref<!tpu.dma_semaphore, #tpu.memory_space<semaphore_mem>>, %arg18: memref<!tpu.dma_semaphore, #tpu.memory_space<semaphore_mem>>, %arg19: memref<!tpu.dma_semaphore, #tpu.memory_space<semaphore_mem>>, %arg20: memref<!tpu.dma_semaphore, #tpu.memory_space<semaphore_mem>>, %arg21: memref<!tpu.dma_semaphore, #tpu.memory_space<semaphore_mem>>, %arg22: memref<!tpu.dma_semaphore, #tpu.memory_space<semaphore_mem>>, %arg23: memref<!tpu.dma_semaphore, #tpu.memory_space<semaphore_mem>>, %arg24: memref<!tpu.dma_semaphore, #tpu.memory_space<semaphore_mem>>) attributes {dimension_semantics = [#tpu.dimension_semantics<core_parallel>, #tpu.dimension_semantics<subcore_parallel>], iteration_bounds = array<i64: 2, 16>, scalar_prefetch = 0 : i64, scratch_operands = 20 : i64, tpu.core_type = #tpu.core_type<sc_vector_subcore>, window_params = [{transform_indices = #map}, {transform_indices = #map}, {transform_indices = #map1}]} {
    %mul3A = arith.constant 2 : i32
    %mul3A_0 = arith.muli %arg1, %mul3A : i32
    %add3A = arith.addi %mul3A_0, %arg0 : i32
    %mul3A_1 = arith.constant 32 : i32
    %mul3A_2 = arith.muli %add3A, %mul3A_1 : i32
    %add3A_3 = arith.constant 0 : i32
    %add3A_4 = arith.addi %mul3A_2, %add3A_3 : i32
    %dma_start3A = arith.constant 0 : i32
    %dma_start3A_5 = tpu.memref_slice %arg2[%add3A_4, %dma_start3A] : memref<1024x200xi32, #tpu.memory_space<hbm>> -> memref<1x200xi32, #tpu.memory_space<hbm>>
    %dma_start3A_6 = tpu.memref_squeeze %dma_start3A_5 : memref<1x200xi32, #tpu.memory_space<hbm>> -> memref<200xi32, #tpu.memory_space<hbm>>
    %dma_start3A_7 = arith.constant 0 : i32
    %dma_start3A_8 = tpu.memref_slice %arg2[%add3A_4, %dma_start3A_7] : memref<1024x200xi32, #tpu.memory_space<hbm>> -> memref<1x200xi32, #tpu.memory_space<hbm>>
    %dma_start3A_9 = tpu.memref_squeeze %dma_start3A_8 : memref<1x200xi32, #tpu.memory_space<hbm>> -> memref<200xi32, #tpu.memory_space<hbm>>
    tpu.enqueue_dma source(%dma_start3A_9 : memref<200xi32, #tpu.memory_space<hbm>>) target(%arg5 : memref<200xi32, #tpu.memory_space<vmem>>) target_semaphore(%arg13 : memref<!tpu.dma_semaphore, #tpu.memory_space<semaphore_mem>>)
    %add3A_10 = arith.constant 1 : i32
    %add3A_11 = arith.addi %mul3A_2, %add3A_10 : i32
    %dma_start3A_12 = arith.constant 0 : i32
    %dma_start3A_13 = tpu.memref_slice %arg2[%add3A_11, %dma_start3A_12] : memref<1024x200xi32, #tpu.memory_space<hbm>> -> memref<1x200xi32, #tpu.memory_space<hbm>>
    %dma_start3A_14 = tpu.memref_squeeze %dma_start3A_13 : memref<1x200xi32, #tpu.memory_space<hbm>> -> memref<200xi32, #tpu.memory_space<hbm>>
    %dma_start3A_15 = arith.constant 0 : i32
    %dma_start3A_16 = tpu.memref_slice %arg2[%add3A_11, %dma_start3A_15] : memref<1024x200xi32, #tpu.memory_space<hbm>> -> memref<1x200xi32, #tpu.memory_space<hbm>>
    %dma_start3A_17 = tpu.memref_squeeze %dma_start3A_16 : memref<1x200xi32, #tpu.memory_space<hbm>> -> memref<200xi32, #tpu.memory_space<hbm>>
    tpu.enqueue_dma source(%dma_start3A_17 : memref<200xi32, #tpu.memory_space<hbm>>) target(%arg6 : memref<200xi32, #tpu.memory_space<vmem>>) target_semaphore(%arg14 : memref<!tpu.dma_semaphore, #tpu.memory_space<semaphore_mem>>)
    %add3A_18 = arith.constant 2 : i32
    %add3A_19 = arith.addi %mul3A_2, %add3A_18 : i32
    %dma_start3A_20 = arith.constant 0 : i32
    %dma_start3A_21 = tpu.memref_slice %arg2[%add3A_19, %dma_start3A_20] : memref<1024x200xi32, #tpu.memory_space<hbm>> -> memref<1x200xi32, #tpu.memory_space<hbm>>
    %dma_start3A_22 = tpu.memref_squeeze %dma_start3A_21 : memref<1x200xi32, #tpu.memory_space<hbm>> -> memref<200xi32, #tpu.memory_space<hbm>>
    %dma_start3A_23 = arith.constant 0 : i32
    %dma_start3A_24 = tpu.memref_slice %arg2[%add3A_19, %dma_start3A_23] : memref<1024x200xi32, #tpu.memory_space<hbm>> -> memref<1x200xi32, #tpu.memory_space<hbm>>
    %dma_start3A_25 = tpu.memref_squeeze %dma_start3A_24 : memref<1x200xi32, #tpu.memory_space<hbm>> -> memref<200xi32, #tpu.memory_space<hbm>>
    tpu.enqueue_dma source(%dma_start3A_25 : memref<200xi32, #tpu.memory_space<hbm>>) target(%arg7 : memref<200xi32, #tpu.memory_space<vmem>>) target_semaphore(%arg15 : memref<!tpu.dma_semaphore, #tpu.memory_space<semaphore_mem>>)
    %add3A_26 = arith.constant 3 : i32
    %add3A_27 = arith.addi %mul3A_2, %add3A_26 : i32
    %dma_start3A_28 = arith.constant 0 : i32
    %dma_start3A_29 = tpu.memref_slice %arg2[%add3A_27, %dma_start3A_28] : memref<1024x200xi32, #tpu.memory_space<hbm>> -> memref<1x200xi32, #tpu.memory_space<hbm>>
    %dma_start3A_30 = tpu.memref_squeeze %dma_start3A_29 : memref<1x200xi32, #tpu.memory_space<hbm>> -> memref<200xi32, #tpu.memory_space<hbm>>
    %dma_start3A_31 = arith.constant 0 : i32
    %dma_start3A_32 = tpu.memref_slice %arg2[%add3A_27, %dma_start3A_31] : memref<1024x200xi32, #tpu.memory_space<hbm>> -> memref<1x200xi32, #tpu.memory_space<hbm>>
    %dma_start3A_33 = tpu.memref_squeeze %dma_start3A_32 : memref<1x200xi32, #tpu.memory_space<hbm>> -> memref<200xi32, #tpu.memory_space<hbm>>
    tpu.enqueue_dma source(%dma_start3A_33 : memref<200xi32, #tpu.memory_space<hbm>>) target(%arg8 : memref<200xi32, #tpu.memory_space<vmem>>) target_semaphore(%arg16 : memref<!tpu.dma_semaphore, #tpu.memory_space<semaphore_mem>>)
    %add3A_34 = arith.constant 0 : i32
    %add3A_35 = arith.addi %mul3A_2, %add3A_34 : i32
    %dma_wait3A = arith.constant 0 : i32
    %dma_wait3A_36 = tpu.memref_slice %arg2[%add3A_35, %dma_wait3A] : memref<1024x200xi32, #tpu.memory_space<hbm>> -> memref<1x200xi32, #tpu.memory_space<hbm>>
    %dma_wait3A_37 = tpu.memref_squeeze %dma_wait3A_36 : memref<1x200xi32, #tpu.memory_space<hbm>> -> memref<200xi32, #tpu.memory_space<hbm>>
    %dma_wait3A_38 = arith.constant 0 : i32
    %dma_wait3A_39 = tpu.memref_slice %arg2[%add3A_35, %dma_wait3A_38] : memref<1024x200xi32, #tpu.memory_space<hbm>> -> memref<1x200xi32, #tpu.memory_space<hbm>>
    %dma_wait3A_40 = tpu.memref_squeeze %dma_wait3A_39 : memref<1x200xi32, #tpu.memory_space<hbm>> -> memref<200xi32, #tpu.memory_space<hbm>>
    tpu.wait_dma2 semaphore(%arg13 : memref<!tpu.dma_semaphore, #tpu.memory_space<semaphore_mem>>) src(%dma_wait3A_40 : memref<200xi32, #tpu.memory_space<hbm>>) dst(%arg5 : memref<200xi32, #tpu.memory_space<vmem>>)
    %dma_start3A_41 = arith.constant 0 : i32
    %dma_start3A_42 = arith.constant 0 : i32
    %dma_start3A_43 = tpu.memref_slice %arg3[%dma_start3A_41, %dma_start3A_42] : memref<100001x128xf32, #tpu.memory_space<hbm>> -> memref<100001x128xf32, #tpu.memory_space<hbm>>
    tpu.enqueue_indirect_dma source(%dma_start3A_43 : memref<100001x128xf32, #tpu.memory_space<hbm>>) target(%arg9 : memref<200x128xf32, #tpu.memory_space<vmem>>) offsets(%arg5 : memref<200xi32, #tpu.memory_space<vmem>>) semaphore(%arg17 : memref<!tpu.dma_semaphore, #tpu.memory_space<semaphore_mem>>)
    %add3A_44 = arith.constant 1 : i32
    %add3A_45 = arith.addi %mul3A_2, %add3A_44 : i32
    %dma_wait3A_46 = arith.constant 0 : i32
    %dma_wait3A_47 = tpu.memref_slice %arg2[%add3A_45, %dma_wait3A_46] : memref<1024x200xi32, #tpu.memory_space<hbm>> -> memref<1x200xi32, #tpu.memory_space<hbm>>
    %dma_wait3A_48 = tpu.memref_squeeze %dma_wait3A_47 : memref<1x200xi32, #tpu.memory_space<hbm>> -> memref<200xi32, #tpu.memory_space<hbm>>
    %dma_wait3A_49 = arith.constant 0 : i32
    %dma_wait3A_50 = tpu.memref_slice %arg2[%add3A_45, %dma_wait3A_49] : memref<1024x200xi32, #tpu.memory_space<hbm>> -> memref<1x200xi32, #tpu.memory_space<hbm>>
    %dma_wait3A_51 = tpu.memref_squeeze %dma_wait3A_50 : memref<1x200xi32, #tpu.memory_space<hbm>> -> memref<200xi32, #tpu.memory_space<hbm>>
    tpu.wait_dma2 semaphore(%arg14 : memref<!tpu.dma_semaphore, #tpu.memory_space<semaphore_mem>>) src(%dma_wait3A_51 : memref<200xi32, #tpu.memory_space<hbm>>) dst(%arg6 : memref<200xi32, #tpu.memory_space<vmem>>)
    %dma_start3A_52 = arith.constant 0 : i32
    %dma_start3A_53 = arith.constant 0 : i32
    %dma_start3A_54 = tpu.memref_slice %arg3[%dma_start3A_52, %dma_start3A_53] : memref<100001x128xf32, #tpu.memory_space<hbm>> -> memref<100001x128xf32, #tpu.memory_space<hbm>>
    tpu.enqueue_indirect_dma source(%dma_start3A_54 : memref<100001x128xf32, #tpu.memory_space<hbm>>) target(%arg10 : memref<200x128xf32, #tpu.memory_space<vmem>>) offsets(%arg6 : memref<200xi32, #tpu.memory_space<vmem>>) semaphore(%arg18 : memref<!tpu.dma_semaphore, #tpu.memory_space<semaphore_mem>>)
    %add3A_55 = arith.constant 2 : i32
    %add3A_56 = arith.addi %mul3A_2, %add3A_55 : i32
    %dma_wait3A_57 = arith.constant 0 : i32
    %dma_wait3A_58 = tpu.memref_slice %arg2[%add3A_56, %dma_wait3A_57] : memref<1024x200xi32, #tpu.memory_space<hbm>> -> memref<1x200xi32, #tpu.memory_space<hbm>>
    %dma_wait3A_59 = tpu.memref_squeeze %dma_wait3A_58 : memref<1x200xi32, #tpu.memory_space<hbm>> -> memref<200xi32, #tpu.memory_space<hbm>>
    %dma_wait3A_60 = arith.constant 0 : i32
    %dma_wait3A_61 = tpu.memref_slice %arg2[%add3A_56, %dma_wait3A_60] : memref<1024x200xi32, #tpu.memory_space<hbm>> -> memref<1x200xi32, #tpu.memory_space<hbm>>
    %dma_wait3A_62 = tpu.memref_squeeze %dma_wait3A_61 : memref<1x200xi32, #tpu.memory_space<hbm>> -> memref<200xi32, #tpu.memory_space<hbm>>
    tpu.wait_dma2 semaphore(%arg15 : memref<!tpu.dma_semaphore, #tpu.memory_space<semaphore_mem>>) src(%dma_wait3A_62 : memref<200xi32, #tpu.memory_space<hbm>>) dst(%arg7 : memref<200xi32, #tpu.memory_space<vmem>>)
    %dma_start3A_63 = arith.constant 0 : i32
    %dma_start3A_64 = arith.constant 0 : i32
    %dma_start3A_65 = tpu.memref_slice %arg3[%dma_start3A_63, %dma_start3A_64] : memref<100001x128xf32, #tpu.memory_space<hbm>> -> memref<100001x128xf32, #tpu.memory_space<hbm>>
    tpu.enqueue_indirect_dma source(%dma_start3A_65 : memref<100001x128xf32, #tpu.memory_space<hbm>>) target(%arg11 : memref<200x128xf32, #tpu.memory_space<vmem>>) offsets(%arg7 : memref<200xi32, #tpu.memory_space<vmem>>) semaphore(%arg19 : memref<!tpu.dma_semaphore, #tpu.memory_space<semaphore_mem>>)
    %add3A_66 = arith.constant 3 : i32
    %add3A_67 = arith.addi %mul3A_2, %add3A_66 : i32
    %dma_wait3A_68 = arith.constant 0 : i32
    %dma_wait3A_69 = tpu.memref_slice %arg2[%add3A_67, %dma_wait3A_68] : memref<1024x200xi32, #tpu.memory_space<hbm>> -> memref<1x200xi32, #tpu.memory_space<hbm>>
    %dma_wait3A_70 = tpu.memref_squeeze %dma_wait3A_69 : memref<1x200xi32, #tpu.memory_space<hbm>> -> memref<200xi32, #tpu.memory_space<hbm>>
    %dma_wait3A_71 = arith.constant 0 : i32
    %dma_wait3A_72 = tpu.memref_slice %arg2[%add3A_67, %dma_wait3A_71] : memref<1024x200xi32, #tpu.memory_space<hbm>> -> memref<1x200xi32, #tpu.memory_space<hbm>>
    %dma_wait3A_73 = tpu.memref_squeeze %dma_wait3A_72 : memref<1x200xi32, #tpu.memory_space<hbm>> -> memref<200xi32, #tpu.memory_space<hbm>>
    tpu.wait_dma2 semaphore(%arg16 : memref<!tpu.dma_semaphore, #tpu.memory_space<semaphore_mem>>) src(%dma_wait3A_73 : memref<200xi32, #tpu.memory_space<hbm>>) dst(%arg8 : memref<200xi32, #tpu.memory_space<vmem>>)
    %dma_start3A_74 = arith.constant 0 : i32
    %dma_start3A_75 = arith.constant 0 : i32
    %dma_start3A_76 = tpu.memref_slice %arg3[%dma_start3A_74, %dma_start3A_75] : memref<100001x128xf32, #tpu.memory_space<hbm>> -> memref<100001x128xf32, #tpu.memory_space<hbm>>
    tpu.enqueue_indirect_dma source(%dma_start3A_76 : memref<100001x128xf32, #tpu.memory_space<hbm>>) target(%arg12 : memref<200x128xf32, #tpu.memory_space<vmem>>) offsets(%arg8 : memref<200xi32, #tpu.memory_space<vmem>>) semaphore(%arg20 : memref<!tpu.dma_semaphore, #tpu.memory_space<semaphore_mem>>)
    %scan3A = arith.constant 0 : i32
    %scan3A_77 = arith.constant 0 : i32
    %scan3A_78 = arith.constant 8 : i32
    %scan3A_79 = arith.addi %scan3A_77, %scan3A_78 : i32
    %scan3A_80 = arith.constant 1 : i32
    scf.for %scan3A_102 = %scan3A_77 to %scan3A_79 step %scan3A_80  : i32 {
      %mul3A_103 = arith.constant 4 : i32
      %mul3A_104 = arith.muli %mul3A_103, %scan3A_102 : i32
      %add3A_105 = arith.constant 0 : i32
      %add3A_106 = arith.addi %mul3A_104, %add3A_105 : i32
      %dma_wait3A_107 = arith.constant 0 : i32
      %dma_wait3A_108 = arith.constant 0 : i32
      %dma_wait3A_109 = tpu.memref_slice %arg3[%dma_wait3A_107, %dma_wait3A_108] : memref<100001x128xf32, #tpu.memory_space<hbm>> -> memref<100001x128xf32, #tpu.memory_space<hbm>>
      tpu.wait_indirect_dma semaphore(%arg17 : memref<!tpu.dma_semaphore, #tpu.memory_space<semaphore_mem>>) src(%dma_wait3A_109 : memref<100001x128xf32, #tpu.memory_space<hbm>>) dst(%arg9 : memref<200x128xf32, #tpu.memory_space<vmem>>)
      %add3A_110 = arith.addi %mul3A_2, %add3A_106 : i32
      %dma_start3A_111 = arith.constant 0 : i32
      %dma_start3A_112 = arith.constant 0 : i32
      %dma_start3A_113 = tpu.memref_slice %arg4[%add3A_110, %dma_start3A_111, %dma_start3A_112] : memref<1024x200x128xf32, #tpu.memory_space<hbm>> -> memref<1x200x128xf32, #tpu.memory_space<hbm>>
      %dma_start3A_114 = tpu.memref_squeeze %dma_start3A_113 : memref<1x200x128xf32, #tpu.memory_space<hbm>> -> memref<200x128xf32, #tpu.memory_space<hbm>>
      %dma_start3A_115 = arith.constant 0 : i32
      %dma_start3A_116 = arith.constant 0 : i32
      %dma_start3A_117 = tpu.memref_slice %arg4[%add3A_110, %dma_start3A_115, %dma_start3A_116] : memref<1024x200x128xf32, #tpu.memory_space<hbm>> -> memref<1x200x128xf32, #tpu.memory_space<hbm>>
      %dma_start3A_118 = tpu.memref_squeeze %dma_start3A_117 : memref<1x200x128xf32, #tpu.memory_space<hbm>> -> memref<200x128xf32, #tpu.memory_space<hbm>>
      tpu.enqueue_dma source(%arg9 : memref<200x128xf32, #tpu.memory_space<vmem>>) target(%dma_start3A_118 : memref<200x128xf32, #tpu.memory_space<hbm>>) target_semaphore(%arg21 : memref<!tpu.dma_semaphore, #tpu.memory_space<semaphore_mem>>)
      %add3A_119 = arith.constant 4 : i32
      %add3A_120 = arith.addi %add3A_106, %add3A_119 : i32
      %lt3A = arith.constant 32 : i32
      %lt3A_121 = arith.cmpi slt, %add3A_120, %lt3A : i32
      %convert_element_type3A = arith.extui %lt3A_121 : i1 to i32
      %cond3A = arith.constant 0 : i32
      %cond3A_122 = arith.cmpi ne, %convert_element_type3A, %cond3A : i32
      scf.if %cond3A_122 {
        %add3A_257 = arith.constant 4 : i32
        %add3A_258 = arith.addi %add3A_106, %add3A_257 : i32
        %add3A_259 = arith.addi %mul3A_2, %add3A_258 : i32
        %dma_start3A_260 = arith.constant 0 : i32
        %dma_start3A_261 = tpu.memref_slice %arg2[%add3A_259, %dma_start3A_260] : memref<1024x200xi32, #tpu.memory_space<hbm>> -> memref<1x200xi32, #tpu.memory_space<hbm>>
        %dma_start3A_262 = tpu.memref_squeeze %dma_start3A_261 : memref<1x200xi32, #tpu.memory_space<hbm>> -> memref<200xi32, #tpu.memory_space<hbm>>
        %dma_start3A_263 = arith.constant 0 : i32
        %dma_start3A_264 = tpu.memref_slice %arg2[%add3A_259, %dma_start3A_263] : memref<1024x200xi32, #tpu.memory_space<hbm>> -> memref<1x200xi32, #tpu.memory_space<hbm>>
        %dma_start3A_265 = tpu.memref_squeeze %dma_start3A_264 : memref<1x200xi32, #tpu.memory_space<hbm>> -> memref<200xi32, #tpu.memory_space<hbm>>
        tpu.enqueue_dma source(%dma_start3A_265 : memref<200xi32, #tpu.memory_space<hbm>>) target(%arg5 : memref<200xi32, #tpu.memory_space<vmem>>) target_semaphore(%arg13 : memref<!tpu.dma_semaphore, #tpu.memory_space<semaphore_mem>>)
      } else {
      }
      %ge3A = arith.constant 2 : i32
      %ge3A_123 = arith.cmpi sge, %add3A_106, %ge3A : i32
      %convert_element_type3A_124 = arith.extui %ge3A_123 : i1 to i32
      %cond3A_125 = arith.constant 0 : i32
      %cond3A_126 = arith.cmpi ne, %convert_element_type3A_124, %cond3A_125 : i32
      scf.if %cond3A_126 {
        %sub3A_257 = arith.constant 2 : i32
        %sub3A_258 = arith.subi %add3A_106, %sub3A_257 : i32
        %add3A_259 = arith.addi %mul3A_2, %sub3A_258 : i32
        %dma_wait3A_260 = arith.constant 0 : i32
        %dma_wait3A_261 = arith.constant 0 : i32
        %dma_wait3A_262 = tpu.memref_slice %arg4[%add3A_259, %dma_wait3A_260, %dma_wait3A_261] : memref<1024x200x128xf32, #tpu.memory_space<hbm>> -> memref<1x200x128xf32, #tpu.memory_space<hbm>>
        %dma_wait3A_263 = tpu.memref_squeeze %dma_wait3A_262 : memref<1x200x128xf32, #tpu.memory_space<hbm>> -> memref<200x128xf32, #tpu.memory_space<hbm>>
        %dma_wait3A_264 = arith.constant 0 : i32
        %dma_wait3A_265 = arith.constant 0 : i32
        %dma_wait3A_266 = tpu.memref_slice %arg4[%add3A_259, %dma_wait3A_264, %dma_wait3A_265] : memref<1024x200x128xf32, #tpu.memory_space<hbm>> -> memref<1x200x128xf32, #tpu.memory_space<hbm>>
        %dma_wait3A_267 = tpu.memref_squeeze %dma_wait3A_266 : memref<1x200x128xf32, #tpu.memory_space<hbm>> -> memref<200x128xf32, #tpu.memory_space<hbm>>
        tpu.wait_dma2 semaphore(%arg23 : memref<!tpu.dma_semaphore, #tpu.memory_space<semaphore_mem>>) src(%arg11 : memref<200x128xf32, #tpu.memory_space<vmem>>) dst(%dma_wait3A_267 : memref<200x128xf32, #tpu.memory_space<hbm>>)
      } else {
      }
      %ge3A_127 = arith.constant 2 : i32
      %ge3A_128 = arith.cmpi sge, %add3A_106, %ge3A_127 : i32
      %sub3A = arith.constant 2 : i32
      %sub3A_129 = arith.subi %add3A_106, %sub3A : i32
      %add3A_130 = arith.constant 4 : i32
      %add3A_131 = arith.addi %sub3A_129, %add3A_130 : i32
      %lt3A_132 = arith.constant 32 : i32
      %lt3A_133 = arith.cmpi slt, %add3A_131, %lt3A_132 : i32
      %and3A = arith.andi %ge3A_128, %lt3A_133 : i1
      %convert_element_type3A_134 = arith.extui %and3A : i1 to i32
      %cond3A_135 = arith.constant 0 : i32
      %cond3A_136 = arith.cmpi ne, %convert_element_type3A_134, %cond3A_135 : i32
      scf.if %cond3A_136 {
        %sub3A_257 = arith.constant 2 : i32
        %sub3A_258 = arith.subi %add3A_106, %sub3A_257 : i32
        %add3A_259 = arith.constant 4 : i32
        %add3A_260 = arith.addi %sub3A_258, %add3A_259 : i32
        %add3A_261 = arith.addi %mul3A_2, %add3A_260 : i32
        %dma_wait3A_262 = arith.constant 0 : i32
        %dma_wait3A_263 = tpu.memref_slice %arg2[%add3A_261, %dma_wait3A_262] : memref<1024x200xi32, #tpu.memory_space<hbm>> -> memref<1x200xi32, #tpu.memory_space<hbm>>
        %dma_wait3A_264 = tpu.memref_squeeze %dma_wait3A_263 : memref<1x200xi32, #tpu.memory_space<hbm>> -> memref<200xi32, #tpu.memory_space<hbm>>
        %dma_wait3A_265 = arith.constant 0 : i32
        %dma_wait3A_266 = tpu.memref_slice %arg2[%add3A_261, %dma_wait3A_265] : memref<1024x200xi32, #tpu.memory_space<hbm>> -> memref<1x200xi32, #tpu.memory_space<hbm>>
        %dma_wait3A_267 = tpu.memref_squeeze %dma_wait3A_266 : memref<1x200xi32, #tpu.memory_space<hbm>> -> memref<200xi32, #tpu.memory_space<hbm>>
        tpu.wait_dma2 semaphore(%arg15 : memref<!tpu.dma_semaphore, #tpu.memory_space<semaphore_mem>>) src(%dma_wait3A_267 : memref<200xi32, #tpu.memory_space<hbm>>) dst(%arg7 : memref<200xi32, #tpu.memory_space<vmem>>)
        %sub3A_268 = arith.constant 2 : i32
        %sub3A_269 = arith.subi %add3A_106, %sub3A_268 : i32
        %add3A_270 = arith.constant 4 : i32
        %add3A_271 = arith.addi %sub3A_269, %add3A_270 : i32
        %dma_start3A_272 = arith.constant 0 : i32
        %dma_start3A_273 = arith.constant 0 : i32
        %dma_start3A_274 = tpu.memref_slice %arg3[%dma_start3A_272, %dma_start3A_273] : memref<100001x128xf32, #tpu.memory_space<hbm>> -> memref<100001x128xf32, #tpu.memory_space<hbm>>
        tpu.enqueue_indirect_dma source(%dma_start3A_274 : memref<100001x128xf32, #tpu.memory_space<hbm>>) target(%arg11 : memref<200x128xf32, #tpu.memory_space<vmem>>) offsets(%arg7 : memref<200xi32, #tpu.memory_space<vmem>>) semaphore(%arg19 : memref<!tpu.dma_semaphore, #tpu.memory_space<semaphore_mem>>)
      } else {
      }
      %mul3A_137 = arith.constant 4 : i32
      %mul3A_138 = arith.muli %mul3A_137, %scan3A_102 : i32
      %add3A_139 = arith.constant 1 : i32
      %add3A_140 = arith.addi %mul3A_138, %add3A_139 : i32
      %dma_wait3A_141 = arith.constant 0 : i32
      %dma_wait3A_142 = arith.constant 0 : i32
      %dma_wait3A_143 = tpu.memref_slice %arg3[%dma_wait3A_141, %dma_wait3A_142] : memref<100001x128xf32, #tpu.memory_space<hbm>> -> memref<100001x128xf32, #tpu.memory_space<hbm>>
      tpu.wait_indirect_dma semaphore(%arg18 : memref<!tpu.dma_semaphore, #tpu.memory_space<semaphore_mem>>) src(%dma_wait3A_143 : memref<100001x128xf32, #tpu.memory_space<hbm>>) dst(%arg10 : memref<200x128xf32, #tpu.memory_space<vmem>>)
      %add3A_144 = arith.addi %mul3A_2, %add3A_140 : i32
      %dma_start3A_145 = arith.constant 0 : i32
      %dma_start3A_146 = arith.constant 0 : i32
      %dma_start3A_147 = tpu.memref_slice %arg4[%add3A_144, %dma_start3A_145, %dma_start3A_146] : memref<1024x200x128xf32, #tpu.memory_space<hbm>> -> memref<1x200x128xf32, #tpu.memory_space<hbm>>
      %dma_start3A_148 = tpu.memref_squeeze %dma_start3A_147 : memref<1x200x128xf32, #tpu.memory_space<hbm>> -> memref<200x128xf32, #tpu.memory_space<hbm>>
      %dma_start3A_149 = arith.constant 0 : i32
      %dma_start3A_150 = arith.constant 0 : i32
      %dma_start3A_151 = tpu.memref_slice %arg4[%add3A_144, %dma_start3A_149, %dma_start3A_150] : memref<1024x200x128xf32, #tpu.memory_space<hbm>> -> memref<1x200x128xf32, #tpu.memory_space<hbm>>
      %dma_start3A_152 = tpu.memref_squeeze %dma_start3A_151 : memref<1x200x128xf32, #tpu.memory_space<hbm>> -> memref<200x128xf32, #tpu.memory_space<hbm>>
      tpu.enqueue_dma source(%arg10 : memref<200x128xf32, #tpu.memory_space<vmem>>) target(%dma_start3A_152 : memref<200x128xf32, #tpu.memory_space<hbm>>) target_semaphore(%arg22 : memref<!tpu.dma_semaphore, #tpu.memory_space<semaphore_mem>>)
      %add3A_153 = arith.constant 4 : i32
      %add3A_154 = arith.addi %add3A_140, %add3A_153 : i32
      %lt3A_155 = arith.constant 32 : i32
      %lt3A_156 = arith.cmpi slt, %add3A_154, %lt3A_155 : i32
      %convert_element_type3A_157 = arith.extui %lt3A_156 : i1 to i32
      %cond3A_158 = arith.constant 0 : i32
      %cond3A_159 = arith.cmpi ne, %convert_element_type3A_157, %cond3A_158 : i32
      scf.if %cond3A_159 {
        %add3A_257 = arith.constant 4 : i32
        %add3A_258 = arith.addi %add3A_140, %add3A_257 : i32
        %add3A_259 = arith.addi %mul3A_2, %add3A_258 : i32
        %dma_start3A_260 = arith.constant 0 : i32
        %dma_start3A_261 = tpu.memref_slice %arg2[%add3A_259, %dma_start3A_260] : memref<1024x200xi32, #tpu.memory_space<hbm>> -> memref<1x200xi32, #tpu.memory_space<hbm>>
        %dma_start3A_262 = tpu.memref_squeeze %dma_start3A_261 : memref<1x200xi32, #tpu.memory_space<hbm>> -> memref<200xi32, #tpu.memory_space<hbm>>
        %dma_start3A_263 = arith.constant 0 : i32
        %dma_start3A_264 = tpu.memref_slice %arg2[%add3A_259, %dma_start3A_263] : memref<1024x200xi32, #tpu.memory_space<hbm>> -> memref<1x200xi32, #tpu.memory_space<hbm>>
        %dma_start3A_265 = tpu.memref_squeeze %dma_start3A_264 : memref<1x200xi32, #tpu.memory_space<hbm>> -> memref<200xi32, #tpu.memory_space<hbm>>
        tpu.enqueue_dma source(%dma_start3A_265 : memref<200xi32, #tpu.memory_space<hbm>>) target(%arg6 : memref<200xi32, #tpu.memory_space<vmem>>) target_semaphore(%arg14 : memref<!tpu.dma_semaphore, #tpu.memory_space<semaphore_mem>>)
      } else {
      }
      %ge3A_160 = arith.constant 2 : i32
      %ge3A_161 = arith.cmpi sge, %add3A_140, %ge3A_160 : i32
      %convert_element_type3A_162 = arith.extui %ge3A_161 : i1 to i32
      %cond3A_163 = arith.constant 0 : i32
      %cond3A_164 = arith.cmpi ne, %convert_element_type3A_162, %cond3A_163 : i32
      scf.if %cond3A_164 {
        %sub3A_257 = arith.constant 2 : i32
        %sub3A_258 = arith.subi %add3A_140, %sub3A_257 : i32
        %add3A_259 = arith.addi %mul3A_2, %sub3A_258 : i32
        %dma_wait3A_260 = arith.constant 0 : i32
        %dma_wait3A_261 = arith.constant 0 : i32
        %dma_wait3A_262 = tpu.memref_slice %arg4[%add3A_259, %dma_wait3A_260, %dma_wait3A_261] : memref<1024x200x128xf32, #tpu.memory_space<hbm>> -> memref<1x200x128xf32, #tpu.memory_space<hbm>>
        %dma_wait3A_263 = tpu.memref_squeeze %dma_wait3A_262 : memref<1x200x128xf32, #tpu.memory_space<hbm>> -> memref<200x128xf32, #tpu.memory_space<hbm>>
        %dma_wait3A_264 = arith.constant 0 : i32
        %dma_wait3A_265 = arith.constant 0 : i32
        %dma_wait3A_266 = tpu.memref_slice %arg4[%add3A_259, %dma_wait3A_264, %dma_wait3A_265] : memref<1024x200x128xf32, #tpu.memory_space<hbm>> -> memref<1x200x128xf32, #tpu.memory_space<hbm>>
        %dma_wait3A_267 = tpu.memref_squeeze %dma_wait3A_266 : memref<1x200x128xf32, #tpu.memory_space<hbm>> -> memref<200x128xf32, #tpu.memory_space<hbm>>
        tpu.wait_dma2 semaphore(%arg24 : memref<!tpu.dma_semaphore, #tpu.memory_space<semaphore_mem>>) src(%arg12 : memref<200x128xf32, #tpu.memory_space<vmem>>) dst(%dma_wait3A_267 : memref<200x128xf32, #tpu.memory_space<hbm>>)
      } else {
      }
      %ge3A_165 = arith.constant 2 : i32
      %ge3A_166 = arith.cmpi sge, %add3A_140, %ge3A_165 : i32
      %sub3A_167 = arith.constant 2 : i32
      %sub3A_168 = arith.subi %add3A_140, %sub3A_167 : i32
      %add3A_169 = arith.constant 4 : i32
      %add3A_170 = arith.addi %sub3A_168, %add3A_169 : i32
      %lt3A_171 = arith.constant 32 : i32
      %lt3A_172 = arith.cmpi slt, %add3A_170, %lt3A_171 : i32
      %and3A_173 = arith.andi %ge3A_166, %lt3A_172 : i1
      %convert_element_type3A_174 = arith.extui %and3A_173 : i1 to i32
      %cond3A_175 = arith.constant 0 : i32
      %cond3A_176 = arith.cmpi ne, %convert_element_type3A_174, %cond3A_175 : i32
      scf.if %cond3A_176 {
        %sub3A_257 = arith.constant 2 : i32
        %sub3A_258 = arith.subi %add3A_140, %sub3A_257 : i32
        %add3A_259 = arith.constant 4 : i32
        %add3A_260 = arith.addi %sub3A_258, %add3A_259 : i32
        %add3A_261 = arith.addi %mul3A_2, %add3A_260 : i32
        %dma_wait3A_262 = arith.constant 0 : i32
        %dma_wait3A_263 = tpu.memref_slice %arg2[%add3A_261, %dma_wait3A_262] : memref<1024x200xi32, #tpu.memory_space<hbm>> -> memref<1x200xi32, #tpu.memory_space<hbm>>
        %dma_wait3A_264 = tpu.memref_squeeze %dma_wait3A_263 : memref<1x200xi32, #tpu.memory_space<hbm>> -> memref<200xi32, #tpu.memory_space<hbm>>
        %dma_wait3A_265 = arith.constant 0 : i32
        %dma_wait3A_266 = tpu.memref_slice %arg2[%add3A_261, %dma_wait3A_265] : memref<1024x200xi32, #tpu.memory_space<hbm>> -> memref<1x200xi32, #tpu.memory_space<hbm>>
        %dma_wait3A_267 = tpu.memref_squeeze %dma_wait3A_266 : memref<1x200xi32, #tpu.memory_space<hbm>> -> memref<200xi32, #tpu.memory_space<hbm>>
        tpu.wait_dma2 semaphore(%arg16 : memref<!tpu.dma_semaphore, #tpu.memory_space<semaphore_mem>>) src(%dma_wait3A_267 : memref<200xi32, #tpu.memory_space<hbm>>) dst(%arg8 : memref<200xi32, #tpu.memory_space<vmem>>)
        %sub3A_268 = arith.constant 2 : i32
        %sub3A_269 = arith.subi %add3A_140, %sub3A_268 : i32
        %add3A_270 = arith.constant 4 : i32
        %add3A_271 = arith.addi %sub3A_269, %add3A_270 : i32
        %dma_start3A_272 = arith.constant 0 : i32
        %dma_start3A_273 = arith.constant 0 : i32
        %dma_start3A_274 = tpu.memref_slice %arg3[%dma_start3A_272, %dma_start3A_273] : memref<100001x128xf32, #tpu.memory_space<hbm>> -> memref<100001x128xf32, #tpu.memory_space<hbm>>
        tpu.enqueue_indirect_dma source(%dma_start3A_274 : memref<100001x128xf32, #tpu.memory_space<hbm>>) target(%arg12 : memref<200x128xf32, #tpu.memory_space<vmem>>) offsets(%arg8 : memref<200xi32, #tpu.memory_space<vmem>>) semaphore(%arg20 : memref<!tpu.dma_semaphore, #tpu.memory_space<semaphore_mem>>)
      } else {
      }
      %mul3A_177 = arith.constant 4 : i32
      %mul3A_178 = arith.muli %mul3A_177, %scan3A_102 : i32
      %add3A_179 = arith.constant 2 : i32
      %add3A_180 = arith.addi %mul3A_178, %add3A_179 : i32
      %dma_wait3A_181 = arith.constant 0 : i32
      %dma_wait3A_182 = arith.constant 0 : i32
      %dma_wait3A_183 = tpu.memref_slice %arg3[%dma_wait3A_181, %dma_wait3A_182] : memref<100001x128xf32, #tpu.memory_space<hbm>> -> memref<100001x128xf32, #tpu.memory_space<hbm>>
      tpu.wait_indirect_dma semaphore(%arg19 : memref<!tpu.dma_semaphore, #tpu.memory_space<semaphore_mem>>) src(%dma_wait3A_183 : memref<100001x128xf32, #tpu.memory_space<hbm>>) dst(%arg11 : memref<200x128xf32, #tpu.memory_space<vmem>>)
      %add3A_184 = arith.addi %mul3A_2, %add3A_180 : i32
      %dma_start3A_185 = arith.constant 0 : i32
      %dma_start3A_186 = arith.constant 0 : i32
      %dma_start3A_187 = tpu.memref_slice %arg4[%add3A_184, %dma_start3A_185, %dma_start3A_186] : memref<1024x200x128xf32, #tpu.memory_space<hbm>> -> memref<1x200x128xf32, #tpu.memory_space<hbm>>
      %dma_start3A_188 = tpu.memref_squeeze %dma_start3A_187 : memref<1x200x128xf32, #tpu.memory_space<hbm>> -> memref<200x128xf32, #tpu.memory_space<hbm>>
      %dma_start3A_189 = arith.constant 0 : i32
      %dma_start3A_190 = arith.constant 0 : i32
      %dma_start3A_191 = tpu.memref_slice %arg4[%add3A_184, %dma_start3A_189, %dma_start3A_190] : memref<1024x200x128xf32, #tpu.memory_space<hbm>> -> memref<1x200x128xf32, #tpu.memory_space<hbm>>
      %dma_start3A_192 = tpu.memref_squeeze %dma_start3A_191 : memref<1x200x128xf32, #tpu.memory_space<hbm>> -> memref<200x128xf32, #tpu.memory_space<hbm>>
      tpu.enqueue_dma source(%arg11 : memref<200x128xf32, #tpu.memory_space<vmem>>) target(%dma_start3A_192 : memref<200x128xf32, #tpu.memory_space<hbm>>) target_semaphore(%arg23 : memref<!tpu.dma_semaphore, #tpu.memory_space<semaphore_mem>>)
      %add3A_193 = arith.constant 4 : i32
      %add3A_194 = arith.addi %add3A_180, %add3A_193 : i32
      %lt3A_195 = arith.constant 32 : i32
      %lt3A_196 = arith.cmpi slt, %add3A_194, %lt3A_195 : i32
      %convert_element_type3A_197 = arith.extui %lt3A_196 : i1 to i32
      %cond3A_198 = arith.constant 0 : i32
      %cond3A_199 = arith.cmpi ne, %convert_element_type3A_197, %cond3A_198 : i32
      scf.if %cond3A_199 {
        %add3A_257 = arith.constant 4 : i32
        %add3A_258 = arith.addi %add3A_180, %add3A_257 : i32
        %add3A_259 = arith.addi %mul3A_2, %add3A_258 : i32
        %dma_start3A_260 = arith.constant 0 : i32
        %dma_start3A_261 = tpu.memref_slice %arg2[%add3A_259, %dma_start3A_260] : memref<1024x200xi32, #tpu.memory_space<hbm>> -> memref<1x200xi32, #tpu.memory_space<hbm>>
        %dma_start3A_262 = tpu.memref_squeeze %dma_start3A_261 : memref<1x200xi32, #tpu.memory_space<hbm>> -> memref<200xi32, #tpu.memory_space<hbm>>
        %dma_start3A_263 = arith.constant 0 : i32
        %dma_start3A_264 = tpu.memref_slice %arg2[%add3A_259, %dma_start3A_263] : memref<1024x200xi32, #tpu.memory_space<hbm>> -> memref<1x200xi32, #tpu.memory_space<hbm>>
        %dma_start3A_265 = tpu.memref_squeeze %dma_start3A_264 : memref<1x200xi32, #tpu.memory_space<hbm>> -> memref<200xi32, #tpu.memory_space<hbm>>
        tpu.enqueue_dma source(%dma_start3A_265 : memref<200xi32, #tpu.memory_space<hbm>>) target(%arg7 : memref<200xi32, #tpu.memory_space<vmem>>) target_semaphore(%arg15 : memref<!tpu.dma_semaphore, #tpu.memory_space<semaphore_mem>>)
      } else {
      }
      %ge3A_200 = arith.constant 2 : i32
      %ge3A_201 = arith.cmpi sge, %add3A_180, %ge3A_200 : i32
      %convert_element_type3A_202 = arith.extui %ge3A_201 : i1 to i32
      %cond3A_203 = arith.constant 0 : i32
      %cond3A_204 = arith.cmpi ne, %convert_element_type3A_202, %cond3A_203 : i32
      scf.if %cond3A_204 {
        %sub3A_257 = arith.constant 2 : i32
        %sub3A_258 = arith.subi %add3A_180, %sub3A_257 : i32
        %add3A_259 = arith.addi %mul3A_2, %sub3A_258 : i32
        %dma_wait3A_260 = arith.constant 0 : i32
        %dma_wait3A_261 = arith.constant 0 : i32
        %dma_wait3A_262 = tpu.memref_slice %arg4[%add3A_259, %dma_wait3A_260, %dma_wait3A_261] : memref<1024x200x128xf32, #tpu.memory_space<hbm>> -> memref<1x200x128xf32, #tpu.memory_space<hbm>>
        %dma_wait3A_263 = tpu.memref_squeeze %dma_wait3A_262 : memref<1x200x128xf32, #tpu.memory_space<hbm>> -> memref<200x128xf32, #tpu.memory_space<hbm>>
        %dma_wait3A_264 = arith.constant 0 : i32
        %dma_wait3A_265 = arith.constant 0 : i32
        %dma_wait3A_266 = tpu.memref_slice %arg4[%add3A_259, %dma_wait3A_264, %dma_wait3A_265] : memref<1024x200x128xf32, #tpu.memory_space<hbm>> -> memref<1x200x128xf32, #tpu.memory_space<hbm>>
        %dma_wait3A_267 = tpu.memref_squeeze %dma_wait3A_266 : memref<1x200x128xf32, #tpu.memory_space<hbm>> -> memref<200x128xf32, #tpu.memory_space<hbm>>
        tpu.wait_dma2 semaphore(%arg21 : memref<!tpu.dma_semaphore, #tpu.memory_space<semaphore_mem>>) src(%arg9 : memref<200x128xf32, #tpu.memory_space<vmem>>) dst(%dma_wait3A_267 : memref<200x128xf32, #tpu.memory_space<hbm>>)
      } else {
      }
      %ge3A_205 = arith.constant 2 : i32
      %ge3A_206 = arith.cmpi sge, %add3A_180, %ge3A_205 : i32
      %sub3A_207 = arith.constant 2 : i32
      %sub3A_208 = arith.subi %add3A_180, %sub3A_207 : i32
      %add3A_209 = arith.constant 4 : i32
      %add3A_210 = arith.addi %sub3A_208, %add3A_209 : i32
      %lt3A_211 = arith.constant 32 : i32
      %lt3A_212 = arith.cmpi slt, %add3A_210, %lt3A_211 : i32
      %and3A_213 = arith.andi %ge3A_206, %lt3A_212 : i1
      %convert_element_type3A_214 = arith.extui %and3A_213 : i1 to i32
      %cond3A_215 = arith.constant 0 : i32
      %cond3A_216 = arith.cmpi ne, %convert_element_type3A_214, %cond3A_215 : i32
      scf.if %cond3A_216 {
        %sub3A_257 = arith.constant 2 : i32
        %sub3A_258 = arith.subi %add3A_180, %sub3A_257 : i32
        %add3A_259 = arith.constant 4 : i32
        %add3A_260 = arith.addi %sub3A_258, %add3A_259 : i32
        %add3A_261 = arith.addi %mul3A_2, %add3A_260 : i32
        %dma_wait3A_262 = arith.constant 0 : i32
        %dma_wait3A_263 = tpu.memref_slice %arg2[%add3A_261, %dma_wait3A_262] : memref<1024x200xi32, #tpu.memory_space<hbm>> -> memref<1x200xi32, #tpu.memory_space<hbm>>
        %dma_wait3A_264 = tpu.memref_squeeze %dma_wait3A_263 : memref<1x200xi32, #tpu.memory_space<hbm>> -> memref<200xi32, #tpu.memory_space<hbm>>
        %dma_wait3A_265 = arith.constant 0 : i32
        %dma_wait3A_266 = tpu.memref_slice %arg2[%add3A_261, %dma_wait3A_265] : memref<1024x200xi32, #tpu.memory_space<hbm>> -> memref<1x200xi32, #tpu.memory_space<hbm>>
        %dma_wait3A_267 = tpu.memref_squeeze %dma_wait3A_266 : memref<1x200xi32, #tpu.memory_space<hbm>> -> memref<200xi32, #tpu.memory_space<hbm>>
        tpu.wait_dma2 semaphore(%arg13 : memref<!tpu.dma_semaphore, #tpu.memory_space<semaphore_mem>>) src(%dma_wait3A_267 : memref<200xi32, #tpu.memory_space<hbm>>) dst(%arg5 : memref<200xi32, #tpu.memory_space<vmem>>)
        %sub3A_268 = arith.constant 2 : i32
        %sub3A_269 = arith.subi %add3A_180, %sub3A_268 : i32
        %add3A_270 = arith.constant 4 : i32
        %add3A_271 = arith.addi %sub3A_269, %add3A_270 : i32
        %dma_start3A_272 = arith.constant 0 : i32
        %dma_start3A_273 = arith.constant 0 : i32
        %dma_start3A_274 = tpu.memref_slice %arg3[%dma_start3A_272, %dma_start3A_273] : memref<100001x128xf32, #tpu.memory_space<hbm>> -> memref<100001x128xf32, #tpu.memory_space<hbm>>
        tpu.enqueue_indirect_dma source(%dma_start3A_274 : memref<100001x128xf32, #tpu.memory_space<hbm>>) target(%arg9 : memref<200x128xf32, #tpu.memory_space<vmem>>) offsets(%arg5 : memref<200xi32, #tpu.memory_space<vmem>>) semaphore(%arg17 : memref<!tpu.dma_semaphore, #tpu.memory_space<semaphore_mem>>)
      } else {
      }
      %mul3A_217 = arith.constant 4 : i32
      %mul3A_218 = arith.muli %mul3A_217, %scan3A_102 : i32
      %add3A_219 = arith.constant 3 : i32
      %add3A_220 = arith.addi %mul3A_218, %add3A_219 : i32
      %dma_wait3A_221 = arith.constant 0 : i32
      %dma_wait3A_222 = arith.constant 0 : i32
      %dma_wait3A_223 = tpu.memref_slice %arg3[%dma_wait3A_221, %dma_wait3A_222] : memref<100001x128xf32, #tpu.memory_space<hbm>> -> memref<100001x128xf32, #tpu.memory_space<hbm>>
      tpu.wait_indirect_dma semaphore(%arg20 : memref<!tpu.dma_semaphore, #tpu.memory_space<semaphore_mem>>) src(%dma_wait3A_223 : memref<100001x128xf32, #tpu.memory_space<hbm>>) dst(%arg12 : memref<200x128xf32, #tpu.memory_space<vmem>>)
      %add3A_224 = arith.addi %mul3A_2, %add3A_220 : i32
      %dma_start3A_225 = arith.constant 0 : i32
      %dma_start3A_226 = arith.constant 0 : i32
      %dma_start3A_227 = tpu.memref_slice %arg4[%add3A_224, %dma_start3A_225, %dma_start3A_226] : memref<1024x200x128xf32, #tpu.memory_space<hbm>> -> memref<1x200x128xf32, #tpu.memory_space<hbm>>
      %dma_start3A_228 = tpu.memref_squeeze %dma_start3A_227 : memref<1x200x128xf32, #tpu.memory_space<hbm>> -> memref<200x128xf32, #tpu.memory_space<hbm>>
      %dma_start3A_229 = arith.constant 0 : i32
      %dma_start3A_230 = arith.constant 0 : i32
      %dma_start3A_231 = tpu.memref_slice %arg4[%add3A_224, %dma_start3A_229, %dma_start3A_230] : memref<1024x200x128xf32, #tpu.memory_space<hbm>> -> memref<1x200x128xf32, #tpu.memory_space<hbm>>
      %dma_start3A_232 = tpu.memref_squeeze %dma_start3A_231 : memref<1x200x128xf32, #tpu.memory_space<hbm>> -> memref<200x128xf32, #tpu.memory_space<hbm>>
      tpu.enqueue_dma source(%arg12 : memref<200x128xf32, #tpu.memory_space<vmem>>) target(%dma_start3A_232 : memref<200x128xf32, #tpu.memory_space<hbm>>) target_semaphore(%arg24 : memref<!tpu.dma_semaphore, #tpu.memory_space<semaphore_mem>>)
      %add3A_233 = arith.constant 4 : i32
      %add3A_234 = arith.addi %add3A_220, %add3A_233 : i32
      %lt3A_235 = arith.constant 32 : i32
      %lt3A_236 = arith.cmpi slt, %add3A_234, %lt3A_235 : i32
      %convert_element_type3A_237 = arith.extui %lt3A_236 : i1 to i32
      %cond3A_238 = arith.constant 0 : i32
      %cond3A_239 = arith.cmpi ne, %convert_element_type3A_237, %cond3A_238 : i32
      scf.if %cond3A_239 {
        %add3A_257 = arith.constant 4 : i32
        %add3A_258 = arith.addi %add3A_220, %add3A_257 : i32
        %add3A_259 = arith.addi %mul3A_2, %add3A_258 : i32
        %dma_start3A_260 = arith.constant 0 : i32
        %dma_start3A_261 = tpu.memref_slice %arg2[%add3A_259, %dma_start3A_260] : memref<1024x200xi32, #tpu.memory_space<hbm>> -> memref<1x200xi32, #tpu.memory_space<hbm>>
        %dma_start3A_262 = tpu.memref_squeeze %dma_start3A_261 : memref<1x200xi32, #tpu.memory_space<hbm>> -> memref<200xi32, #tpu.memory_space<hbm>>
        %dma_start3A_263 = arith.constant 0 : i32
        %dma_start3A_264 = tpu.memref_slice %arg2[%add3A_259, %dma_start3A_263] : memref<1024x200xi32, #tpu.memory_space<hbm>> -> memref<1x200xi32, #tpu.memory_space<hbm>>
        %dma_start3A_265 = tpu.memref_squeeze %dma_start3A_264 : memref<1x200xi32, #tpu.memory_space<hbm>> -> memref<200xi32, #tpu.memory_space<hbm>>
        tpu.enqueue_dma source(%dma_start3A_265 : memref<200xi32, #tpu.memory_space<hbm>>) target(%arg8 : memref<200xi32, #tpu.memory_space<vmem>>) target_semaphore(%arg16 : memref<!tpu.dma_semaphore, #tpu.memory_space<semaphore_mem>>)
      } else {
      }
      %ge3A_240 = arith.constant 2 : i32
      %ge3A_241 = arith.cmpi sge, %add3A_220, %ge3A_240 : i32
      %convert_element_type3A_242 = arith.extui %ge3A_241 : i1 to i32
      %cond3A_243 = arith.constant 0 : i32
      %cond3A_244 = arith.cmpi ne, %convert_element_type3A_242, %cond3A_243 : i32
      scf.if %cond3A_244 {
        %sub3A_257 = arith.constant 2 : i32
        %sub3A_258 = arith.subi %add3A_220, %sub3A_257 : i32
        %add3A_259 = arith.addi %mul3A_2, %sub3A_258 : i32
        %dma_wait3A_260 = arith.constant 0 : i32
        %dma_wait3A_261 = arith.constant 0 : i32
        %dma_wait3A_262 = tpu.memref_slice %arg4[%add3A_259, %dma_wait3A_260, %dma_wait3A_261] : memref<1024x200x128xf32, #tpu.memory_space<hbm>> -> memref<1x200x128xf32, #tpu.memory_space<hbm>>
        %dma_wait3A_263 = tpu.memref_squeeze %dma_wait3A_262 : memref<1x200x128xf32, #tpu.memory_space<hbm>> -> memref<200x128xf32, #tpu.memory_space<hbm>>
        %dma_wait3A_264 = arith.constant 0 : i32
        %dma_wait3A_265 = arith.constant 0 : i32
        %dma_wait3A_266 = tpu.memref_slice %arg4[%add3A_259, %dma_wait3A_264, %dma_wait3A_265] : memref<1024x200x128xf32, #tpu.memory_space<hbm>> -> memref<1x200x128xf32, #tpu.memory_space<hbm>>
        %dma_wait3A_267 = tpu.memref_squeeze %dma_wait3A_266 : memref<1x200x128xf32, #tpu.memory_space<hbm>> -> memref<200x128xf32, #tpu.memory_space<hbm>>
        tpu.wait_dma2 semaphore(%arg22 : memref<!tpu.dma_semaphore, #tpu.memory_space<semaphore_mem>>) src(%arg10 : memref<200x128xf32, #tpu.memory_space<vmem>>) dst(%dma_wait3A_267 : memref<200x128xf32, #tpu.memory_space<hbm>>)
      } else {
      }
      %ge3A_245 = arith.constant 2 : i32
      %ge3A_246 = arith.cmpi sge, %add3A_220, %ge3A_245 : i32
      %sub3A_247 = arith.constant 2 : i32
      %sub3A_248 = arith.subi %add3A_220, %sub3A_247 : i32
      %add3A_249 = arith.constant 4 : i32
      %add3A_250 = arith.addi %sub3A_248, %add3A_249 : i32
      %lt3A_251 = arith.constant 32 : i32
      %lt3A_252 = arith.cmpi slt, %add3A_250, %lt3A_251 : i32
      %and3A_253 = arith.andi %ge3A_246, %lt3A_252 : i1
      %convert_element_type3A_254 = arith.extui %and3A_253 : i1 to i32
      %cond3A_255 = arith.constant 0 : i32
      %cond3A_256 = arith.cmpi ne, %convert_element_type3A_254, %cond3A_255 : i32
      scf.if %cond3A_256 {
        %sub3A_257 = arith.constant 2 : i32
        %sub3A_258 = arith.subi %add3A_220, %sub3A_257 : i32
        %add3A_259 = arith.constant 4 : i32
        %add3A_260 = arith.addi %sub3A_258, %add3A_259 : i32
        %add3A_261 = arith.addi %mul3A_2, %add3A_260 : i32
        %dma_wait3A_262 = arith.constant 0 : i32
        %dma_wait3A_263 = tpu.memref_slice %arg2[%add3A_261, %dma_wait3A_262] : memref<1024x200xi32, #tpu.memory_space<hbm>> -> memref<1x200xi32, #tpu.memory_space<hbm>>
        %dma_wait3A_264 = tpu.memref_squeeze %dma_wait3A_263 : memref<1x200xi32, #tpu.memory_space<hbm>> -> memref<200xi32, #tpu.memory_space<hbm>>
        %dma_wait3A_265 = arith.constant 0 : i32
        %dma_wait3A_266 = tpu.memref_slice %arg2[%add3A_261, %dma_wait3A_265] : memref<1024x200xi32, #tpu.memory_space<hbm>> -> memref<1x200xi32, #tpu.memory_space<hbm>>
        %dma_wait3A_267 = tpu.memref_squeeze %dma_wait3A_266 : memref<1x200xi32, #tpu.memory_space<hbm>> -> memref<200xi32, #tpu.memory_space<hbm>>
        tpu.wait_dma2 semaphore(%arg14 : memref<!tpu.dma_semaphore, #tpu.memory_space<semaphore_mem>>) src(%dma_wait3A_267 : memref<200xi32, #tpu.memory_space<hbm>>) dst(%arg6 : memref<200xi32, #tpu.memory_space<vmem>>)
        %sub3A_268 = arith.constant 2 : i32
        %sub3A_269 = arith.subi %add3A_220, %sub3A_268 : i32
        %add3A_270 = arith.constant 4 : i32
        %add3A_271 = arith.addi %sub3A_269, %add3A_270 : i32
        %dma_start3A_272 = arith.constant 0 : i32
        %dma_start3A_273 = arith.constant 0 : i32
        %dma_start3A_274 = tpu.memref_slice %arg3[%dma_start3A_272, %dma_start3A_273] : memref<100001x128xf32, #tpu.memory_space<hbm>> -> memref<100001x128xf32, #tpu.memory_space<hbm>>
        tpu.enqueue_indirect_dma source(%dma_start3A_274 : memref<100001x128xf32, #tpu.memory_space<hbm>>) target(%arg10 : memref<200x128xf32, #tpu.memory_space<vmem>>) offsets(%arg6 : memref<200xi32, #tpu.memory_space<vmem>>) semaphore(%arg18 : memref<!tpu.dma_semaphore, #tpu.memory_space<semaphore_mem>>)
      } else {
      }
    }
    %scan3A_81 = arith.constant 8 : i32
    %add3A_82 = arith.constant 30 : i32
    %add3A_83 = arith.addi %mul3A_2, %add3A_82 : i32
    %dma_wait3A_84 = arith.constant 0 : i32
    %dma_wait3A_85 = arith.constant 0 : i32
    %dma_wait3A_86 = tpu.memref_slice %arg4[%add3A_83, %dma_wait3A_84, %dma_wait3A_85] : memref<1024x200x128xf32, #tpu.memory_space<hbm>> -> memref<1x200x128xf32, #tpu.memory_space<hbm>>
    %dma_wait3A_87 = tpu.memref_squeeze %dma_wait3A_86 : memref<1x200x128xf32, #tpu.memory_space<hbm>> -> memref<200x128xf32, #tpu.memory_space<hbm>>
    %dma_wait3A_88 = arith.constant 0 : i32
    %dma_wait3A_89 = arith.constant 0 : i32
    %dma_wait3A_90 = tpu.memref_slice %arg4[%add3A_83, %dma_wait3A_88, %dma_wait3A_89] : memref<1024x200x128xf32, #tpu.memory_space<hbm>> -> memref<1x200x128xf32, #tpu.memory_space<hbm>>
    %dma_wait3A_91 = tpu.memref_squeeze %dma_wait3A_90 : memref<1x200x128xf32, #tpu.memory_space<hbm>> -> memref<200x128xf32, #tpu.memory_space<hbm>>
    tpu.wait_dma2 semaphore(%arg23 : memref<!tpu.dma_semaphore, #tpu.memory_space<semaphore_mem>>) src(%arg11 : memref<200x128xf32, #tpu.memory_space<vmem>>) dst(%dma_wait3A_91 : memref<200x128xf32, #tpu.memory_space<hbm>>)
    %add3A_92 = arith.constant 31 : i32
    %add3A_93 = arith.addi %mul3A_2, %add3A_92 : i32
    %dma_wait3A_94 = arith.constant 0 : i32
    %dma_wait3A_95 = arith.constant 0 : i32
    %dma_wait3A_96 = tpu.memref_slice %arg4[%add3A_93, %dma_wait3A_94, %dma_wait3A_95] : memref<1024x200x128xf32, #tpu.memory_space<hbm>> -> memref<1x200x128xf32, #tpu.memory_space<hbm>>
    %dma_wait3A_97 = tpu.memref_squeeze %dma_wait3A_96 : memref<1x200x128xf32, #tpu.memory_space<hbm>> -> memref<200x128xf32, #tpu.memory_space<hbm>>
    %dma_wait3A_98 = arith.constant 0 : i32
    %dma_wait3A_99 = arith.constant 0 : i32
    %dma_wait3A_100 = tpu.memref_slice %arg4[%add3A_93, %dma_wait3A_98, %dma_wait3A_99] : memref<1024x200x128xf32, #tpu.memory_space<hbm>> -> memref<1x200x128xf32, #tpu.memory_space<hbm>>
    %dma_wait3A_101 = tpu.memref_squeeze %dma_wait3A_100 : memref<1x200x128xf32, #tpu.memory_space<hbm>> -> memref<200x128xf32, #tpu.memory_space<hbm>>
    tpu.wait_dma2 semaphore(%arg24 : memref<!tpu.dma_semaphore, #tpu.memory_space<semaphore_mem>>) src(%arg12 : memref<200x128xf32, #tpu.memory_space<vmem>>) dst(%dma_wait3A_101 : memref<200x128xf32, #tpu.memory_space<hbm>>)
    return
  }
}

</mosaic_0001>

<sc_bundles>
// kernel: kernel.3.cloned.1.call-start
scs
__scs_entry_jumppad:
0x0: {  	(pc) =	sbr.rel $0x88, $3  }
0x1: {  	(tag) =	ssettag $0x0;
	lr =	simm.s32 $0x1  }
0x2: {  	[smem:$0x3F9F] =	sst lr;
	_ =	strace $0xD0000000  }
0x3: {  	_ = 	snop  }
0x4: {  	_ = 	snop  }
0x5: {  	_ = 	snop  }
0x6: {  	_ = 	snop  }
0x7: {  	_ = 	snop  }
__scs_overlays_trampoline_lowered:
0x8: {  	[smem:$0x3FAE] =	sst s0  }
0x9: {  	[smem:$0x3FAF] =	sst s1  }
0xa: {  	[smem:$0x3FB0] =	sst s2  }
0xb: {  	[smem:$0x3FB1] =	sst s3  }
0xc: {  	[smem:$0x3FB2] =	sst s4  }
0xd: {  	[smem:$0x3FB3] =	sst s5  }
0xe: {  	[smem:$0x3FB4] =	sst s6  }
0xf: {  	[smem:$0x3FB5] =	sst s7  }
0x10: {  	[smem:$0x3FB6] =	sst s8  }
0x11: {  	[smem:$0x3FB7] =	sst s9;
	s0 =	simm.s32 @!p0 $0x0  }
0x12: {  	s1 =	sld [smem:$0x3F9D];
	s0 =	simm.s32 @p0 $0x1  }
0x13: {  	[smem:$0x3FB8] =	sst s0;
	s0 =	simm.s32 @!p1 $0x0  }
0x14: {  	s2 =	sld [smem:$0x3F9C];
	s0 =	simm.s32 @p1 $0x1  }
0x15: {  	[smem:$0x3FB9] =	sst s0;
	s0 =	simm.s32 @!p2 $0x0  }
0x16: {  	s3 =	sld [smem:$0x3FDB];
	s0 =	simm.s32 @p2 $0x1  }
0x17: {  	s4 =	simm.s32 $0x1BF5;
	[smem:$0x3FBB] =	sst s0  }
0x18: {  	s0 =	sld [smem:$0x3F9E];
	_ =	swait.ge [sflag:s4], $0x0  }
0x19: {  	s7 =	sld [smem:$0x3F9F]  }
0x1a: {  	s8 =	sadd.s32 $0xFFFFE003, lr  }
0x1b: {  	s9 =	sadd.s32 $0xFFFFFEF7, lr;
	s5 =	simm.s32 $0xFFFFFFFF;
	p2 =	slt.u32 s8, $0xFFFFF086  }
0x1c: {  	p1 =	slt.u32 s9, $0xF7A;
	s5 =	simm.s32 @!p2 $0x0  }
0x1d: {  	s5 =	simm.s32 @p1 $0x1;
	p0 =	seq.s32 s7, s2  }
0x1e: {  	s7 =	smul.u32 @!p0 $0xF7A, s2;
	p2 =	seq.s32 @!p0 s5, $0x0  }
0x1f: {  	s9 =	smul.u32 $0xF7A, s1;
	s8 =	simm.s32 @!p0 $0x1BF5;
	p2 =	por !p2, p0  }
0x20: {  	[sflag:s8] =	ssyncset.s32 @!p0 $0xFFFFF086;
	s6 =	sadd.s32 @!p0 s3, s7;
	s7 =	simm.s32 @!p0 $0x108  }
0x21: {  	s3 =	sadd.s32 s3, s9;
	s6 =	sadd.s32 @!p0 $0x88, s6;
	s7 =	simm.s32 @p2 $0x1082  }
0x22: {  	[simem:s7], [sflag:s8] =	dma.local @!p0 [hbm:s6], $0xF7A  }
0x23: {  	s9 =	sor.u32 $0xD0000000, s2;
	s6 =	simm.s32 $0x108;
	_ =	swait.ge @!p0 [sflag:s8], $0x0  }
0x24: {  	s3 =	sadd.s32 $0x88, s3;
	s6 =	simm.s32 @!p1 $0x1082;
	[sflag:s4] =	ssyncset.s32 $0xFFFFF086  }
0x25: {  	[simem:s6], [sflag:s4] =	dma.local [hbm:s3], $0xF7A  }
0x26: {  	[smem:$0x3F9F] =	sst s1;
	(tag) =	ssettag s2;
	_ =	strace s9  }
0x27: {  	s1 =	sld [smem:$0x3FAF]  }
0x28: {  	s2 =	sld [smem:$0x3FB0]  }
0x29: {  	s4 =	sld [smem:$0x3FB2]  }
0x2a: {  	p0 =	seq.s32 s5, $0x0;
	s5 =	sld [smem:$0x3FB3]  }
0x2b: {  	s6 =	sld [smem:$0x3FB4]  }
0x2c: {  	s7 =	sld [smem:$0x3FB5]  }
0x2d: {  	s3 =	simm.s32 $0x108;
	s8 =	sld [smem:$0x3FB6]  }
0x2e: {  	s3 =	simm.s32 @!p0 $0x1082;
	s9 =	sld [smem:$0x3FB7]  }
0x2f: {  	lr =	sadd.s32 s0, s3;
	s0 =	sld [smem:$0x3FAE]  }
0x30: {  	s3 =	sld [smem:$0x3FB1]  }
0x31: {  	[smem:$0x3FBA] =	sst s10  }
0x32: {  	s10 =	sld [smem:$0x3FB8];
	_ =	sdelay $0x3  }
0x33: {  	p0 =	seq.s32 s10, $0x1;
	s10 =	sld [smem:$0x3FBA];
	_ =	sdelay $0x3  }
0x34: {  	[smem:$0x3FBA] =	sst s10  }
0x35: {  	s10 =	sld [smem:$0x3FB9];
	_ =	sdelay $0x3  }
0x36: {  	p1 =	seq.s32 s10, $0x1;
	s10 =	sld [smem:$0x3FBA];
	_ =	sdelay $0x3  }
0x37: {  	[smem:$0x3FBA] =	sst s10  }
0x38: {  	s10 =	sld [smem:$0x3FBB]  }
0x39: {  	_ = 	snop;
	(pc) =	sbr.ind lr, $3  }
0x3a: {  	_ = 	snop  }
0x3b: {  	_ = 	snop  }
0x3c: {  	p2 =	seq.s32 s10, $0x1;
	s10 =	sld [smem:$0x3FBA]  }
0x3d: {  	_ =	shalt  }
0x3e: {  	_ =	shalt  }
0x3f: {  	_ =	shalt  }
0x40: {  	_ =	shalt  }
0x41: {  	_ =	shalt  }
0x42: {  	_ =	shalt  }
0x43: {  	_ =	shalt  }
0x44: {  	_ =	shalt  }
0x45: {  	_ =	shalt  }
0x46: {  	_ =	shalt  }
0x47: {  	_ =	shalt  }
0x48: {  	_ =	shalt  }
0x49: {  	_ =	shalt  }
0x4a: {  	_ =	shalt  }
0x4b: {  	_ =	shalt  }
0x4c: {  	_ =	shalt  }
0x4d: {  	_ =	shalt  }
0x4e: {  	_ =	shalt  }
0x4f: {  	_ =	shalt  }
0x50: {  	_ =	shalt  }
0x51: {  	_ =	shalt  }
0x52: {  	_ =	shalt  }
0x53: {  	_ =	shalt  }
0x54: {  	_ =	shalt  }
0x55: {  	_ =	shalt  }
0x56: {  	_ =	shalt  }
0x57: {  	_ =	shalt  }
0x58: {  	_ =	shalt  }
0x59: {  	_ =	shalt  }
0x5a: {  	_ =	shalt  }
0x5b: {  	_ =	shalt  }
0x5c: {  	_ =	shalt  }
0x5d: {  	_ =	shalt  }
0x5e: {  	_ =	shalt  }
0x5f: {  	_ =	shalt  }
0x60: {  	_ =	shalt  }
0x61: {  	_ =	shalt  }
0x62: {  	_ =	shalt  }
0x63: {  	_ =	shalt  }
0x64: {  	_ =	shalt  }
0x65: {  	_ =	shalt  }
0x66: {  	_ =	shalt  }
0x67: {  	_ =	shalt  }
0x68: {  	_ =	shalt  }
0x69: {  	_ =	shalt  }
0x6a: {  	_ =	shalt  }
0x6b: {  	_ =	shalt  }
0x6c: {  	_ =	shalt  }
0x6d: {  	_ =	shalt  }
0x6e: {  	_ =	shalt  }
0x6f: {  	_ =	shalt  }
0x70: {  	_ =	shalt  }
0x71: {  	_ =	shalt  }
0x72: {  	_ =	shalt  }
0x73: {  	_ =	shalt  }
0x74: {  	_ =	shalt  }
0x75: {  	_ =	shalt  }
0x76: {  	_ =	shalt  }
0x77: {  	_ =	shalt  }
0x78: {  	_ =	shalt  }
0x79: {  	_ =	shalt  }
0x7a: {  	_ =	shalt  }
0x7b: {  	_ =	shalt  }
0x7c: {  	_ =	shalt  }
0x7d: {  	_ =	shalt  }
0x7e: {  	_ =	shalt  }
0x7f: {  	_ =	shalt  }
0x80: {  	_ =	shalt  }
0x81: {  	_ =	shalt  }
0x82: {  	_ =	shalt  }
0x83: {  	_ =	shalt  }
0x84: {  	_ =	shalt  }
0x85: {  	_ =	shalt  }
0x86: {  	_ =	shalt  }
0x87: {  	_ =	shalt  }
.Lfunc_end0:
.L_simem_size_0:
called_computation_lowered:
.L_overlay_start_0:
0x88: {  	s2 =	sld [smem:$0x3FD9]  }
0x89: {  	s3 =	sld [smem:$0x3FFE];
	_ =	sdelay $0x1  }
0x8a: {  	s1 =	srdreg.scid  }
0x8b: {  	s0 =	sand.u32 $0x1, s1  }
0x8c: {  	s17 =	sshll.u32 s0, $0xA;
	s2 =	sadd.s32 s3, s2  }
0x8d: {  	s2 =	sadd.s32 s2, s17  }
0x8e: {  	[smem:$0x3FC6] =	sst s2  }
0x8f: {  	_ = 	snop  }
0x90: {  	s2 =	sld [smem:$0x3FC8]  }
0x91: {  	s18 =	sld [smem:$0x3FD0];
	(tm) =	ssettm $0x1  }
0x92: {  	s4 =	sld [smem:$0x3FFB];
	_ =	sdelay $0x3  }
0x93: {  	_ =	strace s4  }
0x94: {  	s4 =	sld [smem:$0x3FFC];
	_ =	sdelay $0x3  }
0x95: {  	_ =	strace s4  }
0x96: {  	s4 =	sld [smem:$0x3FFD];
	_ =	sdelay $0x3  }
0x97: {  	_ =	strace s4  }
0x98: {  	_ =	strace $0x8FFFFFFF  }
0x99: {  	s19 =	sld [smem:$0x3FDB];
	_ =	sdelay $0x1  }
0x9a: {  	s5 =	simm.s32 $_scs_section_size  }
0x9b: {  	s6 =	simm.s32 $_size__tile_overlayer_lowered;
	s7 =	simm.s32 $_tile_overlayer_lowered  }
0x9c: {  	s22 =	simm.s32 $0x1BFF;
	s21 =	sshll.u32 s7, $0x1;
	s4 =	sadd.s32 s5, s19  }
0x9d: {  	s8 =	simm.s32 $0x0;
	s20 =	sshll.u32 s6, $0x1;
	s6 =	sadd.s32 s21, s4  }
0x9e: {  	[timem:s8], [sflag:s22] =	dma.local [hbm:s6], s20  }
0x9f: {  	_ =	swait.ge [sflag:s22], s20  }
0xa0: {  	s5 =	ssub.s32 $0x0, s20;
	[sflag:s22] =	ssyncset.done $0x0  }
0xa1: {  	[sflag:s22] =	ssyncadd.s32 s5;
	_ =	sdelay $0x1  }
0xa2: {  	s23 =	simm.s32 $0x1B8B  }
0xa3: {  	_ =	swait.ge [sflag:s23], $0x1  }
0xa4: {  	[sflag:s23] =	ssyncset.done $0x0  }
0xa5: {  	s25 =	simm.s32 $0x1B8E;
	s24 =	sld [smem:$0x3FFE];
	[sflag:s23] =	ssyncadd.s32 $0xFFFFFFFF  }
0xa6: {  	s26 =	simm.s32 $execute0_lowered;
	[smem:$0x3FD2] =	sst s25  }
0xa7: {  	s6 =	sshll.u32 s26, $0x1;
	_ =	strace $0x80000046;
	[dreg:$0x1] =	wrdreg $0xFFFFFFFF  }
0xa8: {  	s28 =	simm.s32 $_size_execute0_lowered;
	s4 =	sadd.s32 s4, s6;
	[dreg:$0x0] =	wrdreg $0x0  }
0xa9: {  	s6 =	sshll.u32 s28, $0x1;
	[dreg:$0x2] =	wrdreg s4  }
0xaa: {  	[dreg:$0x3] =	wrdreg s6  }
0xab: {  	[dreg:$0x4] =	wrdreg $0xC0  }
0xac: {  	_ =	task [dreg:s8], $0x5FFFF  }
0xad: {  	[dreg:$0x1] =	wrdreg $0xFFFFFFFF  }
0xae: {  	[dreg:$0x0] =	wrdreg $0x60  }
0xaf: {  	[dreg:$0x2] =	wrdreg s24  }
0xb0: {  	[dreg:$0x3] =	wrdreg s2  }
0xb1: {  	[dreg:$0x4] =	wrdreg s18  }
0xb2: {  	[dreg:$0x5] =	wrdreg $0x9  }
0xb3: {  	_ =	task.clear_ibuf [dreg:s8], $0x6FFFF;
	_ =	strace $0x90000046  }
0xb4: {  	s29 =	simm.s32 $0x9;
	_ =	strace $0x80000048  }
0xb5: {  	_ =	swait.ge [sflag:s29], $0x1  }
0xb6: {  	[sflag:s29] =	ssyncadd.s32 $0xFFFFFFFF  }
0xb7: {  	_ =	strace $0x90000048  }
0xb8: {  	_ =	sfence  }
0xb9: {  	s30 =	sld [smem:$0x0];
	_ =	sdelay $0x2  }
0xba: {  	s31 =	sshll.u32 s1, $0xD;
	s1 =	sshrl.u32 s1, $0x2  }
0xbb: {  	s3 =	sand.u32 $0x4000, s31;
	s1 =	sadd.s32 s1, s30  }
0xbc: {  	s0 =	sor.u32 s3, s0;
	s1 =	sshll.u32 s1, $0x11  }
0xbd: {  	s0 =	sor.u32 s1, s0  }
0xbe: {  	s0 =	sadd.s32 $0x8F2B, s0  }
0xbf: {  	[sflag:s0] =	ssyncadd.remote.s32 $0x1  }
0xc0: {  	_ =	sfence.sel $0xFFFF  }
0xc1: {  	[dreg:$0x0] =	wrdreg $0xFFFFFFFF;
	(pc) =	sbr.abs _section_cstart, $3  }
0xc2: {  	[dreg:$0x1] =	wrdreg $0xFFFFFFFF  }
0xc3: {  	_ =	task.clear_ibuf [dreg:s8], $0x2FFFF;
	_ =	strace $0x9FFFFFFF  }
0xc4: {  	(tm) =	ssettm $0x7FFFFFFF  }
0xc5: {  	_ =	shalt  }
tec
execute0_lowered:
.L_overlay_start_1:
0x0: {  	(tag) =	ssettag $0x1  }
0x1: {  	s0 =	rddreg [dreg:$0x0]  }
0x2: {  	s2 =	rddreg [dreg:$0x1]  }
0x3: {  	s3 =	rddreg [dreg:$0x2];
	s1 =	srdreg.scid  }
0x4: {  	s9 =	stileid.u32;
	s4 =	simm.s32 $0x0;
	s14 =	simm.s32 $0x80  }
0x5: {  	s15 =	simm.s32 $0x400;
	s16 =	simm.s32 $0x100;
	s17 =	simm.s32 $0x200  }
0x6: {  	s18 =	simm.s32 $0x300;
	s28 =	simm.s32 $0x6;
	s29 =	simm.s32 $0x7  }
0x7: {  	s30 =	simm.s32 $0x8;
	s31 =	simm.s32 $0xA;
	s1 =	sand.u32 $0x1, s1  }
0x8: {  	s5 =	sshll.u32 s9, $0x6;
	[smem:$0x7FF] =	sst s4;
	s21 =	smul.u32 $0x32000, s9  }
0x9: {  	s9 =	sshll.u32 s9, $0xB;
	s6 =	sshll.u32 s1, $0x5;
	s20 =	ssub.s32 $0x2, s1  }
0xa: {  	_ =	strace $0x80000047;
	s24 =	smul.u32 $0x19000, s1;
	s1 =	sshll.u32 s1, $0xA  }
0xb: {  	s5 =	sor.u32 s6, s5;
	s6 =	sadd.s32 $0x400, s0;
	s8 =	sshrl.u32 s20, $0x1  }
0xc: {  	s26 =	sor.u32 s1, s9;
	s9 =	simm.s32 $0x0;
	s7 =	sshll.u32 s5, $0x5  }
0xd: {  	s0 =	ssub.s32 s20, s8;
	[dreg:$0xa] =	wrdreg s26;
	s10 =	sadd.s32 s6, s7  }
0xe: {  	s20 =	simm.s32 $0xC8;
	s0 =	smax.u32 s0, $0x1;
	[dreg:$0x4] =	wrdreg s10  }
0xf: {  	s26 =	simm.s32 $0x5;
	s7 =	sadd.s32 $0x10, s10;
	[dreg:$0x8] =	wrdreg s0  }
.Ltmp0:
0x10: {  	s22 =	sadd.s32 $0x20, s10;
	[dreg:$0x5] =	wrdreg s7;
	(pc) =	sbr.rel .LBB2_1-.Ltmp0, $4  }
0x11: {  	s8 =	simm.s32 $0x2;
	s23 =	sadd.s32 $0x30, s10;
	[dreg:$0x6] =	wrdreg s22  }
0x12: {  	s0 =	simm.s32 $0xB;
	[dreg:$0x7] =	wrdreg s23;
	s7 =	sadd.s32 s21, s3  }
0x13: {  	s21 =	simm.s32 $0x6800;
	s22 =	simm.s32 $0x3;
	s25 =	sadd.s32 s24, s7  }
0x14: {  	s23 =	simm.s32 $0xCC00;
	[dreg:$0x9] =	wrdreg s25;
	s25 =	simm.s32 $0x13000  }
.LBB2_7:
0x15: {  	_ =	swait.ge [sflag:s31], $0x6400  }
0x16: {  	[sflag:s31] =	ssyncset.done $0x0  }
0x17: {  	[sflag:s31] =	ssyncadd.s32 $0xFFFF9C00  }
0x18: {  	_ =	swait.ge [sflag:s0], $0x6400  }
0x19: {  	[sflag:s0] =	ssyncset.done $0x0  }
0x1a: {  	s7 =	simm.s32 $0xC;
	[sflag:s0] =	ssyncadd.s32 $0xFFFF9C00  }
0x1b: {  	_ =	swait.ge [sflag:s7], $0x6400  }
0x1c: {  	s9 =	rddreg [dreg:$0xb]  }
0x1d: {  	s1 =	rddreg [dreg:$0x8];
	s9 =	sadd.s32 $0x1, s9  }
0x1e: {  	p0 =	sne.s32 s9, s1  }
.Ltmp1:
0x1f: {  	_ = 	snop;
	(pc) =	sbr.rel @!p0 .LBB2_8-.Ltmp1, $3  }
0x20: {  	_ =	sdelay $0x1  }
0x21: {  	[sflag:s7] =	ssyncset.done $0x0  }
0x22: {  	[sflag:s7] =	ssyncadd.s32 $0xFFFF9C00  }
.LBB2_1:
0x23: {  	[dreg:$0xb] =	wrdreg s9  }
0x24: {  	s1 =	rddreg [dreg:$0x4]  }
0x25: {  	[tilespmem:s4], [sflag:$0x1] =	stream.strided.gather [hbm4b:s1+s14], $0x100, s15, s14, $0x38;
	[tilespmem:$0x19400] =	vst v63  }
0x26: {  	s11 =	rddreg [dreg:$0x5]  }
0x27: {  	[tilespmem:s16], [sflag:$0x2] =	stream.strided.gather [hbm4b:s11+s14], $0x100, s15, s14, $0x38;
	[tilespmem:$0x19400] =	vst v63  }
0x28: {  	s12 =	rddreg [dreg:$0x6]  }
0x29: {  	[tilespmem:s17], [sflag:$0x3] =	stream.strided.gather [hbm4b:s12+s14], $0x100, s15, s14, $0x38;
	[tilespmem:$0x19400] =	vst v63  }
0x2a: {  	s13 =	rddreg [dreg:$0x7];
	s19 =	simm.s32 $0x1  }
0x2b: {  	[tilespmem:s18], [sflag:$0x4] =	stream.strided.gather [hbm4b:s13+s14], $0x100, s15, s14, $0x38;
	[tilespmem:$0x19400] =	vst v63  }
0x2c: {  	_ =	swait.ge [sflag:s19], $0x100  }
0x2d: {  	[sflag:s19] =	ssyncset.done $0x0  }
0x2e: {  	[sflag:s19] =	ssyncadd.s32 $0xFFFFFF00  }
0x2f: {  	[tilespmem:s15], [sflag:$0x5] =	stream.indirect.gather [hbm4b:s2+s20], $0x80, s4, s20, $0xb8;
	[tilespmem:$0x19400] =	vst v63  }
0x30: {  	_ =	swait.ge [sflag:s8], $0x100  }
0x31: {  	[sflag:s8] =	ssyncset.done $0x0  }
0x32: {  	[sflag:s8] =	ssyncadd.s32 $0xFFFFFF00  }
0x33: {  	[tilespmem:s21], [sflag:$0x6] =	stream.indirect.gather [hbm4b:s2+s20], $0x80, s16, s20, $0xb8;
	[tilespmem:$0x19400] =	vst v63  }
0x34: {  	_ =	swait.ge [sflag:s22], $0x100  }
0x35: {  	[sflag:s22] =	ssyncset.done $0x0  }
0x36: {  	s24 =	simm.s32 $0x4;
	[sflag:s22] =	ssyncadd.s32 $0xFFFFFF00  }
0x37: {  	[tilespmem:s23], [sflag:$0x7] =	stream.indirect.gather [hbm4b:s2+s20], $0x80, s17, s20, $0xb8;
	[tilespmem:$0x19400] =	vst v63  }
0x38: {  	_ =	swait.ge [sflag:s24], $0x100  }
0x39: {  	s10 =	simm.s32 $0x70;
	[sflag:s24] =	ssyncset.done $0x0;
	s13 =	rddreg [dreg:$0xa]  }
0x3a: {  	s11 =	rddreg [dreg:$0x9];
	[sflag:s24] =	ssyncadd.s32 $0xFFFFFF00;
	s24 =	simm.s32 $0x2  }
0x3b: {  	[tilespmem:s25], [sflag:$0x8] =	stream.indirect.gather [hbm4b:s2+s20], $0x80, s18, s20, $0xb8;
	[tilespmem:$0x19400] =	vst v63  }
.LBB2_2:
0x3c: {  	_ =	swait.ge [sflag:s26], $0x6400;
	p0 =	seq.s32 s10, $0x230  }
0x3d: {  	[sflag:s26] =	ssyncset.done $0x0;
	p1 =	seq.s32 @!p0 s10, $0x70  }
0x3e: {  	s7 =	sadd.s32 @!p0 $0xFFFFFFD0, s10;
	s12 =	sadd.s32 @!p0 $0x80, s13;
	p1 =	por p0, !p1  }
.Ltmp2:
0x3f: {  	[sflag:s26] =	ssyncadd.s32 $0xFFFF9C00;
	s7 =	sand.u32 @!p0 $0x40, s7;
	(pc) =	sbr.rel @p1 .LBB2_4-.Ltmp2, $4  }
0x40: {  	[hbm4b:s11+s4] =	stream.linear.scatter [tilespmem:s15], [sflag:$0x9], $0x6400, $0x38;
	[tilespmem:$0x19400] =	vst v63  }
0x41: {  	s19 =	simm.s32 @!p0 $0x400;
	s12 =	sand.u32 @!p0 $0xFF00, s12;
	s7 =	sadd.s32 @!p0 s6, s7  }
0x42: {  	s1 =	simm.s32 @!p0 $0x0;
	s12 =	sadd.s32 @!p0 s12, s7;
	s7 =	simm.s32 @!p0 $0x80  }
0x43: {  	[tilespmem:s1], [sflag:$0x1] =	stream.strided.gather @!p0 [hbm4b:s12+s7], $0x100, s19, s7, $0x38;
	[tilespmem:$0x19400] =	vst v63  }
.Ltmp3:
0x44: {  	(pc) =	sbr.rel .LBB2_5-.Ltmp3, $2  }
0x45: {  	_ =	sdelay $0x2  }
0x46: {  	p1 =	por @!p0 $0x1, $0x1;
	s12 =	simm.s32 @!p0 $0x2  }
.LBB2_4:
0x47: {  	_ =	swait.ge [sflag:s0], $0x6400  }
0x48: {  	[sflag:s0] =	ssyncset.done $0x0  }
0x49: {  	[sflag:s0] =	ssyncadd.s32 $0xFFFF9C00  }
0x4a: {  	_ =	swait.ge [sflag:s22], $0x100  }
0x4b: {  	[sflag:s22] =	ssyncset.done $0x0  }
0x4c: {  	p1 =	por $0x0, $0x0;
	s12 =	smov.u32 s24;
	[sflag:s22] =	ssyncadd.s32 $0xFFFFFF00  }
0x4d: {  	[tilespmem:s23], [sflag:$0x7] =	stream.indirect.gather [hbm4b:s2+s20], $0x80, s17, s20, $0xb8;
	[tilespmem:$0x19400] =	vst v63  }
.LBB2_5:
0x4e: {  	_ =	swait.ge [sflag:s28], $0x6400  }
0x4f: {  	[sflag:s28] =	ssyncset.done $0x0  }
0x50: {  	s1 =	sadd.s32 $0xC80, s11;
	[sflag:s28] =	ssyncadd.s32 $0xFFFF9C00  }
0x51: {  	[hbm4b:s1+s4] =	stream.linear.scatter [tilespmem:s21], [sflag:$0xA], $0x6400, $0x38;
	[tilespmem:$0x19400] =	vst v63  }
0x52: {  	s1 =	sadd.s32 @!p0 $0xFFFFFFE0, s10  }
0x53: {  	s9 =	sadd.s32 @!p0 $0xA0, s13;
	s1 =	sand.u32 @!p0 $0x50, s1  }
0x54: {  	s9 =	sand.u32 @!p0 $0xFF00, s9;
	s1 =	sadd.s32 @!p0 s6, s1  }
0x55: {  	s1 =	sadd.s32 @!p0 s9, s1;
	s9 =	simm.s32 @!p0 $0x100  }
0x56: {  	[tilespmem:s9], [sflag:$0x2] =	stream.strided.gather @!p0 [hbm4b:s1+s7], $0x100, s19, s7, $0x38;
	[tilespmem:$0x19400] =	vst v63  }
0x57: {  	s1 =	simm.s32 @!p1 $0xC  }
0x58: {  	_ =	swait.ge @!p1 [sflag:s1], $0x6400  }
0x59: {  	[sflag:s1] =	ssyncset.done @!p1 $0x0  }
0x5a: {  	[sflag:s1] =	ssyncadd.s32 @!p1 $0xFFFF9C00;
	s1 =	simm.s32 @!p1 $0x4  }
0x5b: {  	_ =	swait.ge @!p1 [sflag:s1], $0x100  }
0x5c: {  	s12 =	sadd.s32 s5, s12;
	s7 =	simm.s32 @!p1 $0x300;
	[sflag:s1] =	ssyncset.done @!p1 $0x0  }
0x5d: {  	s9 =	simm.s32 @!p1 $0x13000;
	[sflag:s1] =	ssyncadd.s32 @!p1 $0xFFFFFF00;
	s1 =	simm.s32 @!p1 $0xC8  }
0x5e: {  	[tilespmem:s9], [sflag:$0x8] =	stream.indirect.gather @!p1 [hbm4b:s2+s1], $0x80, s7, s1, $0xb8;
	[tilespmem:$0x19400] =	vst v63  }
0x5f: {  	s1 =	smul.u32 $0xC80, s12;
	_ =	swait.ge [sflag:s29], $0x6400  }
0x60: {  	[sflag:s29] =	ssyncset.done $0x0  }
0x61: {  	p1 =	sne.s32 s10, $0x230;
	s1 =	sadd.s32 s3, s1;
	[sflag:s29] =	ssyncadd.s32 $0xFFFF9C00  }
0x62: {  	[hbm4b:s1+s4] =	stream.linear.scatter [tilespmem:s23], [sflag:$0xB], $0x6400, $0x38;
	[tilespmem:$0x19400] =	vst v63  }
0x63: {  	s1 =	sadd.s32 @p1 $0xFFFFFFF0, s10  }
0x64: {  	s7 =	sadd.s32 @p1 $0xC0, s13;
	s1 =	sand.u32 @p1 $0x60, s1  }
0x65: {  	s9 =	simm.s32 @p1 $0x400;
	s7 =	sand.u32 @p1 $0xFF00, s7;
	s1 =	sadd.s32 @p1 s6, s1  }
0x66: {  	s12 =	simm.s32 @p1 $0x200;
	s1 =	sadd.s32 @p1 s7, s1;
	s7 =	simm.s32 @p1 $0x80  }
0x67: {  	[tilespmem:s12], [sflag:$0x3] =	stream.strided.gather @p1 [hbm4b:s1+s7], $0x100, s9, s7, $0x38;
	[tilespmem:$0x19400] =	vst v63  }
0x68: {  	s1 =	simm.s32 @p1 $0x9  }
0x69: {  	_ =	swait.ge @p1 [sflag:s1], $0x6400  }
0x6a: {  	[sflag:s1] =	ssyncset.done @p1 $0x0  }
0x6b: {  	[sflag:s1] =	ssyncadd.s32 @p1 $0xFFFF9C00;
	s1 =	simm.s32 @p1 $0x1  }
0x6c: {  	_ =	swait.ge @p1 [sflag:s1], $0x100  }
0x6d: {  	[sflag:s1] =	ssyncset.done @p1 $0x0  }
0x6e: {  	s7 =	simm.s32 @p1 $0x0;
	[sflag:s1] =	ssyncadd.s32 @p1 $0xFFFFFF00;
	s1 =	simm.s32 @p1 $0xC8  }
0x6f: {  	[tilespmem:s9], [sflag:$0x5] =	stream.indirect.gather @p1 [hbm4b:s2+s1], $0x80, s7, s1, $0xb8;
	[tilespmem:$0x19400] =	vst v63  }
0x70: {  	s1 =	simm.s32 @!p1 $0x9  }
0x71: {  	_ =	swait.ge @!p1 [sflag:s1], $0x6400  }
0x72: {  	[sflag:s1] =	ssyncset.done @!p1 $0x0  }
.Ltmp4:
0x73: {  	[sflag:s1] =	ssyncadd.s32 @!p1 $0xFFFF9C00;
	(pc) =	sbr.rel @p0 .LBB2_7-.Ltmp4, $4  }
0x74: {  	_ =	swait.ge [sflag:s30], $0x6400  }
0x75: {  	[sflag:s30] =	ssyncset.done $0x0  }
0x76: {  	s19 =	sadd.s32 $0x2580, s11;
	[sflag:s30] =	ssyncadd.s32 $0xFFFF9C00  }
0x77: {  	[hbm4b:s19+s4] =	stream.linear.scatter [tilespmem:s25], [sflag:$0xC], $0x6400, $0x38;
	[tilespmem:$0x19400] =	vst v63  }
0x78: {  	s1 =	sadd.s32 $0xE0, s13;
	s7 =	sand.u32 $0x70, s10  }
0x79: {  	s1 =	sand.u32 $0xFF00, s1;
	s7 =	sadd.s32 s6, s7  }
0x7a: {  	s1 =	sadd.s32 s1, s7  }
0x7b: {  	[tilespmem:s18], [sflag:$0x4] =	stream.strided.gather [hbm4b:s1+s14], $0x100, s15, s14, $0x38;
	[tilespmem:$0x19400] =	vst v63  }
0x7c: {  	_ =	swait.ge [sflag:s31], $0x6400  }
0x7d: {  	[sflag:s31] =	ssyncset.done $0x0  }
.Ltmp5:
0x7e: {  	[sflag:s31] =	ssyncadd.s32 $0xFFFF9C00;
	(pc) =	sbr.rel .LBB2_2-.Ltmp5, $4  }
0x7f: {  	_ =	swait.ge [sflag:s8], $0x100  }
0x80: {  	s10 =	sadd.s32 $0x40, s10;
	s11 =	sadd.s32 $0x3200, s11;
	[sflag:s8] =	ssyncset.done $0x0  }
0x81: {  	s24 =	sadd.s32 $0x4, s24;
	s13 =	sadd.s32 $0x80, s13;
	[sflag:s8] =	ssyncadd.s32 $0xFFFFFF00  }
0x82: {  	[tilespmem:s21], [sflag:$0x6] =	stream.indirect.gather [hbm4b:s2+s20], $0x80, s16, s20, $0xb8;
	[tilespmem:$0x19400] =	vst v63  }
.LBB2_8:
0x83: {  	_ =	sfence.sel $0x180000  }
0x84: {  	[bflag:$0x0] =	sbarrier.arrive $0xFFFF  }
0x85: {  	_ =	strace $0x90000047  }
0x86: {  	s0 =	stileid.u32;
	[bflag:$0x2] =	sbarrier.arrive $0xFFFF  }
0x87: {  	p0 =	sne.s32 s0, $0x0;
	s0 =	rddreg [dreg:$0x3]  }
0x88: {  	s0 =	sadd.s32 @!p0 $0x100000, s0  }
0x89: {  	[sflag:s0] =	ssyncadd.tile.s32 @!p0 $0x1;
	_ =	shalt  }
.Lfunc_end2:
_tile_overlayer_lowered:
.L_overlay_start_2:
0x8a: {  	(tag) =	ssettag $0x2  }
0x8b: {  	s0 =	rddreg [dreg:$0x0];
	s2 =	stileid.u32  }
0x8c: {  	s1 =	rddreg [dreg:$0x1];
	p0 =	sne.s32 s2, $0x0  }
0x8d: {  	s3 =	rddreg [dreg:$0x2];
	[bflag:$0x3] =	sbarrier.arrive $0xFFFF;
	s2 =	simm.s32 @!p0 $0x1C0D  }
0x8e: {  	[timem:s3], [sflag:s2] =	dma.local @!p0 [hbm:s0], s1  }
0x8f: {  	s0 =	simm.s32 @!p0 $0xD  }
0x90: {  	_ =	swait.ge @!p0 [sflag:s0], s1  }
0x91: {  	s1 =	ssub.s32 @!p0 $0x0, s1;
	[sflag:s0] =	ssyncset.done @!p0 $0x0  }
0x92: {  	[sflag:s0] =	ssyncadd.s32 @!p0 s1  }
0x93: {  	[bflag:$0x3] =	sbarrier.arrive $0xFFFF  }
0x94: {  	_ =	shalt  }

</sc_bundles>
